<compile_context>
chip_gen: v7x
topology: tpu7x:2x2x1
jax: 0.10.2.dev20260603
libtpu: 0.0.44.dev20260713+nightly
codegen_flags: <defaults>
</compile_context>

<pallas_src>
import functools

import jax
import jax.numpy as jnp
from jax import lax
from jax.experimental import pallas as pl
from jax.experimental.pallas import tpu as pltpu
from jax.experimental.pallas import tpu_sc as plsc

_EPS = 1e-5

_B = 16384
_D = 32
_P = 128
_NCOMBO = 128

_NC = 2
_NS = 16
_L = 16
_NW = _NC * _NS
_ROWS_W = _B // _NW
_CHROWS = 128
_CH = _ROWS_W // _CHROWS


def _table_body(d_ref, t_ref, a_ref, dt, dw, db, tt, tw, tb, at_, aw, ab_,
                w_ref, b_ref, out, combo_ref):
    nrow = _B // _CHROWS
    combo_ref[...] = (d_ref[...] * 4 + t_ref[...] * 2
                      + a_ref[...]).reshape(nrow, _CHROWS)
    dw, db = dw[...].reshape(1, _D), db[...].reshape(1, _D)
    tw, tb = tw[...].reshape(1, _D), tb[...].reshape(1, _D)
    aw, ab_ = aw[...].reshape(1, _D), ab_[...].reshape(1, _D)
    bb = b_ref[...].reshape(1, _P)
    def ln(x, wv, bv):
        mu = jnp.mean(x, axis=-1, keepdims=True)
        var = jnp.mean((x - mu) ** 2, axis=-1, keepdims=True)
        return (x - mu) * lax.rsqrt(var + _EPS) * wv + bv

    dn = ln(dt[...], dw, db)
    tn = ln(tt[...], tw, tb)
    an = ln(at_[...], aw, ab_)

    wt = w_ref[...]
    pd = jnp.dot(dn, wt[:_D], preferred_element_type=jnp.float32)
    pt = jnp.dot(tn, wt[_D:2 * _D], preferred_element_type=jnp.float32)
    pa = jnp.dot(an, wt[2 * _D:], preferred_element_type=jnp.float32)

    ic = lax.broadcasted_iota(jnp.int32, (_NCOMBO, _D), 0)
    iv = lax.broadcasted_iota(jnp.int32, (_NCOMBO, _D), 1)
    e_d = (ic // 4 == iv).astype(jnp.float32)
    hd = jnp.dot(e_d, pd, preferred_element_type=jnp.float32)

    cid = lax.broadcasted_iota(jnp.int32, (_NCOMBO, _P), 0)
    tbit = ((cid >> 1) & 1).astype(jnp.float32)
    abit = (cid & 1).astype(jnp.float32)
    h = (hd
         + pt[0:1, :] + tbit * (pt[1:2, :] - pt[0:1, :])
         + pa[0:1, :] + abit * (pa[1:2, :] - pa[0:1, :])
         + bb)
    out[...] = h * (1.0 / (1.0 + jnp.exp(-h)))


_table_call = pl.pallas_call(
    _table_body,
    out_shape=(
        jax.ShapeDtypeStruct((_NCOMBO, _P), jnp.float32),
        jax.ShapeDtypeStruct((_B // _CHROWS, _CHROWS), jnp.int32),
    ),
)


def _gather_body(combo_hbm, table_hbm, out_hbm,
                 idx_v, rows_v, table_sh, isem, tsem, gsems, ssem):
    sid = lax.axis_index("s")
    wid = sid * _NC + lax.axis_index("c")
    base = wid * _ROWS_W
    ic = pltpu.async_copy(combo_hbm.at[pl.ds(wid * _CH, _CH)], idx_v, isem)
    nstage = _NCOMBO // _NS
    tv = rows_v.at[pl.ds(0, nstage)]
    trows = pl.ds(sid * nstage, nstage)
    pltpu.async_copy(table_hbm.at[trows], tv, tsem).wait()
    pltpu.sync_copy(tv, table_sh.at[trows])
    ic.wait()
    plsc.subcore_barrier()
    gathers = [
        pltpu.async_copy(table_sh.at[idx_v.at[j]],
                         rows_v.at[pl.ds(j * _CHROWS, _CHROWS)], gsems.at[j])
        for j in range(_CH)
    ]
    stores = []
    for j in range(_CH):
        gathers[j].wait()
        stores.append(
            pltpu.async_copy(rows_v.at[pl.ds(j * _CHROWS, _CHROWS)],
                             out_hbm.at[pl.ds(base + j * _CHROWS, _CHROWS)],
                             ssem))
    for s in stores:
        s.wait()


@functools.cache
def _make_gather_call():
    mesh = plsc.VectorSubcoreMesh(core_axis_name="c", subcore_axis_name="s",
                                  num_cores=_NC, num_subcores=_NS)
    return pl.kernel(
        _gather_body,
        mesh=mesh,
        out_type=jax.ShapeDtypeStruct((_B, _P), jnp.float32),
        scratch_types=[
            pltpu.VMEM((_CH, _CHROWS), jnp.int32),
            pltpu.VMEM((_ROWS_W, _P), jnp.float32),
            pltpu.VMEM_SHARED((_NCOMBO, _P), jnp.float32),
            pltpu.SemaphoreType.DMA,
            pltpu.SemaphoreType.DMA,
            pltpu.SemaphoreType.DMA((_CH,)),
            pltpu.SemaphoreType.DMA,
        ],
    )


def kernel(layer_depth, layer_type, ab_type, depth_table, depth_ln_w, depth_ln_b,
           type_table, type_ln_w, type_ln_b, ab_table, ab_ln_w, ab_ln_b, W, b):
    table, combo = _table_call(
        layer_depth.astype(jnp.int32),
        layer_type.astype(jnp.int32),
        ab_type.astype(jnp.int32),
        depth_table, depth_ln_w, depth_ln_b,
        type_table, type_ln_w, type_ln_b,
        ab_table, ab_ln_w, ab_ln_b,
        W.T, b,
    )
    return _make_gather_call()(combo, table)

# --- scband reference (transcript-rebuilt; emitter-appended) ---
"""Pipeline reference for scband-layer-cond-38147899523181 (READ-ONLY COPY).

The authoritative reference and input builder live on the scoring server;
editing this copy changes nothing except your own understanding.
"""

import jax, jax.numpy as jnp
import numpy as np

EPS = 1e-5

def layer_norm(x, w, b):
    mu = jnp.mean(x, axis=-1, keepdims=True)
    var = jnp.var(x, axis=-1, keepdims=True)
    return (x - mu) / jnp.sqrt(var + EPS) * w + b

def setup_inputs(seed: int = 0) -> dict:
    key = jax.random.key(seed)
    ks = jax.random.split(key, 12)
    B = 16384
    D = 32
    P = 128
    return {
        "layer_depth": jax.random.randint(ks[0], (B,), 0, 32),
        "layer_type": jax.random.randint(ks[1], (B,), 0, 2),
        "ab_type": jax.random.randint(ks[2], (B,), 0, 2),
        "depth_table": jax.random.normal(ks[3], (32, D), dtype=jnp.float32),
        "depth_ln_w": jnp.ones((D,), dtype=jnp.float32),
        "depth_ln_b": jnp.zeros((D,), dtype=jnp.float32),
        "type_table": jax.random.normal(ks[4], (2, D), dtype=jnp.float32),
        "type_ln_w": jnp.ones((D,), dtype=jnp.float32),
        "type_ln_b": jnp.zeros((D,), dtype=jnp.float32),
        "ab_table": jax.random.normal(ks[5], (2, D), dtype=jnp.float32),
        "ab_ln_w": jnp.ones((D,), dtype=jnp.float32),
        "ab_ln_b": jnp.zeros((D,), dtype=jnp.float32),
        "W": jax.random.normal(ks[6], (P, 3 * D), dtype=jnp.float32) * 0.02,
        "b": jnp.zeros((P,), dtype=jnp.float32),
    }

def reference(layer_depth, layer_type, ab_type, depth_table, depth_ln_w, depth_ln_b,
              type_table, type_ln_w, type_ln_b, ab_table, ab_ln_w, ab_ln_b, W, b):
    d = layer_norm(jnp.take(depth_table, layer_depth, axis=0), depth_ln_w, depth_ln_b)
    t = layer_norm(jnp.take(type_table, layer_type, axis=0), type_ln_w, type_ln_b)
    ab = layer_norm(jnp.take(ab_table, ab_type, axis=0), ab_ln_w, ab_ln_b)
    cond = jnp.concatenate([d, t, ab], axis=-1)
    h = cond @ W.T + b
    return h * jax.nn.sigmoid(h)

if __name__ == "__main__":
    import jax
    _d = setup_inputs()
    print(jax.jit(kernel)(*tuple(_d.values())))

</pallas_src>

<mosaic_0001>
#map = affine_map<(d0, d1) -> (0, 0)>
module attributes {stable_mosaic.version = 14 : i64} {
  func.func @_gather_body(%arg0: i32, %arg1: i32, %arg2: memref<128x128xi32, #tpu.memory_space<hbm>>, %arg3: memref<128x128xf32, #tpu.memory_space<hbm>>, %arg4: memref<16384x128xf32, #tpu.memory_space<hbm>>, %arg5: memref<4x128xi32, #tpu.memory_space<vmem>>, %arg6: memref<512x128xf32, #tpu.memory_space<vmem>>, %arg7: memref<128x128xf32, #tpu.memory_space<vmem_shared>>, %arg8: memref<!tpu.dma_semaphore, #tpu.memory_space<semaphore_mem>>, %arg9: memref<!tpu.dma_semaphore, #tpu.memory_space<semaphore_mem>>, %arg10: memref<4x!tpu.dma_semaphore, #tpu.memory_space<semaphore_mem>>, %arg11: memref<!tpu.dma_semaphore, #tpu.memory_space<semaphore_mem>>) attributes {dimension_semantics = [#tpu.dimension_semantics<core_parallel>, #tpu.dimension_semantics<subcore_parallel>], iteration_bounds = array<i64: 2, 16>, scalar_prefetch = 0 : i64, scratch_operands = 7 : i64, tpu.core_type = #tpu.core_type<sc_vector_subcore>, window_params = [{transform_indices = #map}, {transform_indices = #map}, {transform_indices = #map}]} {
    %mul3A = arith.constant 2 : i32
    %mul3A_0 = arith.muli %arg1, %mul3A : i32
    %add3A = arith.addi %mul3A_0, %arg0 : i32
    %mul3A_1 = arith.constant 512 : i32
    %mul3A_2 = arith.muli %add3A, %mul3A_1 : i32
    %mul3A_3 = arith.constant 4 : i32
    %mul3A_4 = arith.muli %add3A, %mul3A_3 : i32
    %dma_start3A = arith.constant 0 : i32
    %dma_start3A_5 = tpu.memref_slice %arg2[%mul3A_4, %dma_start3A] : memref<128x128xi32, #tpu.memory_space<hbm>> -> memref<4x128xi32, #tpu.memory_space<hbm>>
    %dma_start3A_6 = arith.constant 0 : i32
    %dma_start3A_7 = tpu.memref_slice %arg2[%mul3A_4, %dma_start3A_6] : memref<128x128xi32, #tpu.memory_space<hbm>> -> memref<4x128xi32, #tpu.memory_space<hbm>>
    tpu.enqueue_dma source(%dma_start3A_7 : memref<4x128xi32, #tpu.memory_space<hbm>>) target(%arg5 : memref<4x128xi32, #tpu.memory_space<vmem>>) target_semaphore(%arg8 : memref<!tpu.dma_semaphore, #tpu.memory_space<semaphore_mem>>)
    %mul3A_8 = arith.constant 8 : i32
    %mul3A_9 = arith.muli %arg1, %mul3A_8 : i32
    %dma_start3A_10 = arith.constant 0 : i32
    %dma_start3A_11 = arith.constant 0 : i32
    %dma_start3A_12 = tpu.memref_slice %arg6[%dma_start3A_10, %dma_start3A_11] : memref<512x128xf32, #tpu.memory_space<vmem>> -> memref<8x128xf32, #tpu.memory_space<vmem>>
    %dma_start3A_13 = arith.constant 0 : i32
    %dma_start3A_14 = tpu.memref_slice %arg3[%mul3A_9, %dma_start3A_13] : memref<128x128xf32, #tpu.memory_space<hbm>> -> memref<8x128xf32, #tpu.memory_space<hbm>>
    %dma_start3A_15 = arith.constant 0 : i32
    %dma_start3A_16 = arith.constant 0 : i32
    %dma_start3A_17 = tpu.memref_slice %arg6[%dma_start3A_15, %dma_start3A_16] : memref<512x128xf32, #tpu.memory_space<vmem>> -> memref<8x128xf32, #tpu.memory_space<vmem>>
    %dma_start3A_18 = arith.constant 0 : i32
    %dma_start3A_19 = tpu.memref_slice %arg3[%mul3A_9, %dma_start3A_18] : memref<128x128xf32, #tpu.memory_space<hbm>> -> memref<8x128xf32, #tpu.memory_space<hbm>>
    tpu.enqueue_dma source(%dma_start3A_19 : memref<8x128xf32, #tpu.memory_space<hbm>>) target(%dma_start3A_17 : memref<8x128xf32, #tpu.memory_space<vmem>>) target_semaphore(%arg9 : memref<!tpu.dma_semaphore, #tpu.memory_space<semaphore_mem>>)
    %dma_wait3A = arith.constant 0 : i32
    %dma_wait3A_20 = arith.constant 0 : i32
    %dma_wait3A_21 = tpu.memref_slice %arg6[%dma_wait3A, %dma_wait3A_20] : memref<512x128xf32, #tpu.memory_space<vmem>> -> memref<8x128xf32, #tpu.memory_space<vmem>>
    %dma_wait3A_22 = arith.constant 0 : i32
    %dma_wait3A_23 = tpu.memref_slice %arg3[%mul3A_9, %dma_wait3A_22] : memref<128x128xf32, #tpu.memory_space<hbm>> -> memref<8x128xf32, #tpu.memory_space<hbm>>
    %dma_wait3A_24 = arith.constant 0 : i32
    %dma_wait3A_25 = arith.constant 0 : i32
    %dma_wait3A_26 = tpu.memref_slice %arg6[%dma_wait3A_24, %dma_wait3A_25] : memref<512x128xf32, #tpu.memory_space<vmem>> -> memref<8x128xf32, #tpu.memory_space<vmem>>
    %dma_wait3A_27 = arith.constant 0 : i32
    %dma_wait3A_28 = tpu.memref_slice %arg3[%mul3A_9, %dma_wait3A_27] : memref<128x128xf32, #tpu.memory_space<hbm>> -> memref<8x128xf32, #tpu.memory_space<hbm>>
    tpu.wait_dma2 semaphore(%arg9 : memref<!tpu.dma_semaphore, #tpu.memory_space<semaphore_mem>>) src(%dma_wait3A_28 : memref<8x128xf32, #tpu.memory_space<hbm>>) dst(%dma_wait3A_26 : memref<8x128xf32, #tpu.memory_space<vmem>>)
    "tpu.region"() ({
      %run_scoped3A = tpu.sem_alloc : memref<!tpu.dma_semaphore, #tpu.memory_space<semaphore_mem>>
      %dma_start3A_225 = arith.constant 0 : i32
      %dma_start3A_226 = arith.constant 0 : i32
      %dma_start3A_227 = tpu.memref_slice %arg6[%dma_start3A_225, %dma_start3A_226] : memref<512x128xf32, #tpu.memory_space<vmem>> -> memref<8x128xf32, #tpu.memory_space<vmem>>
      %dma_start3A_228 = arith.constant 0 : i32
      %dma_start3A_229 = tpu.memref_slice %arg7[%mul3A_9, %dma_start3A_228] : memref<128x128xf32, #tpu.memory_space<vmem_shared>> -> memref<8x128xf32, #tpu.memory_space<vmem_shared>>
      %dma_start3A_230 = arith.constant 0 : i32
      %dma_start3A_231 = tpu.memref_slice %arg7[%mul3A_9, %dma_start3A_230] : memref<128x128xf32, #tpu.memory_space<vmem_shared>> -> memref<8x128xf32, #tpu.memory_space<vmem_shared>>
      %dma_start3A_232 = arith.constant 0 : i32
      %dma_start3A_233 = arith.constant 0 : i32
      %dma_start3A_234 = tpu.memref_slice %arg6[%dma_start3A_232, %dma_start3A_233] : memref<512x128xf32, #tpu.memory_space<vmem>> -> memref<8x128xf32, #tpu.memory_space<vmem>>
      tpu.enqueue_dma source(%dma_start3A_234 : memref<8x128xf32, #tpu.memory_space<vmem>>) target(%dma_start3A_231 : memref<8x128xf32, #tpu.memory_space<vmem_shared>>) target_semaphore(%run_scoped3A : memref<!tpu.dma_semaphore, #tpu.memory_space<semaphore_mem>>)
      %dma_wait3A_235 = arith.constant 0 : i32
      %dma_wait3A_236 = arith.constant 0 : i32
      %dma_wait3A_237 = tpu.memref_slice %arg6[%dma_wait3A_235, %dma_wait3A_236] : memref<512x128xf32, #tpu.memory_space<vmem>> -> memref<8x128xf32, #tpu.memory_space<vmem>>
      %dma_wait3A_238 = arith.constant 0 : i32
      %dma_wait3A_239 = tpu.memref_slice %arg7[%mul3A_9, %dma_wait3A_238] : memref<128x128xf32, #tpu.memory_space<vmem_shared>> -> memref<8x128xf32, #tpu.memory_space<vmem_shared>>
      %dma_wait3A_240 = arith.constant 0 : i32
      %dma_wait3A_241 = tpu.memref_slice %arg7[%mul3A_9, %dma_wait3A_240] : memref<128x128xf32, #tpu.memory_space<vmem_shared>> -> memref<8x128xf32, #tpu.memory_space<vmem_shared>>
      %dma_wait3A_242 = arith.constant 0 : i32
      %dma_wait3A_243 = arith.constant 0 : i32
      %dma_wait3A_244 = tpu.memref_slice %arg6[%dma_wait3A_242, %dma_wait3A_243] : memref<512x128xf32, #tpu.memory_space<vmem>> -> memref<8x128xf32, #tpu.memory_space<vmem>>
      tpu.wait_dma2 semaphore(%run_scoped3A : memref<!tpu.dma_semaphore, #tpu.memory_space<semaphore_mem>>) src(%dma_wait3A_244 : memref<8x128xf32, #tpu.memory_space<vmem>>) dst(%dma_wait3A_241 : memref<8x128xf32, #tpu.memory_space<vmem_shared>>)
      tpu.yield
    }) : () -> ()
    %dma_wait3A_29 = arith.constant 0 : i32
    %dma_wait3A_30 = tpu.memref_slice %arg2[%mul3A_4, %dma_wait3A_29] : memref<128x128xi32, #tpu.memory_space<hbm>> -> memref<4x128xi32, #tpu.memory_space<hbm>>
    %dma_wait3A_31 = arith.constant 0 : i32
    %dma_wait3A_32 = tpu.memref_slice %arg2[%mul3A_4, %dma_wait3A_31] : memref<128x128xi32, #tpu.memory_space<hbm>> -> memref<4x128xi32, #tpu.memory_space<hbm>>
    tpu.wait_dma2 semaphore(%arg8 : memref<!tpu.dma_semaphore, #tpu.memory_space<semaphore_mem>>) src(%dma_wait3A_32 : memref<4x128xi32, #tpu.memory_space<hbm>>) dst(%arg5 : memref<4x128xi32, #tpu.memory_space<vmem>>)
    %barrier3A = arith.constant 0 : index
    tpu.barrier barrier_id(%barrier3A)
    %dma_start3A_33 = arith.constant 0 : i32
    %dma_start3A_34 = arith.constant 0 : i32
    %dma_start3A_35 = arith.constant 0 : i32
    %dma_start3A_36 = arith.constant 0 : i32
    %dma_start3A_37 = tpu.memref_slice %arg6[%dma_start3A_35, %dma_start3A_36] : memref<512x128xf32, #tpu.memory_space<vmem>> -> memref<128x128xf32, #tpu.memory_space<vmem>>
    %dma_start3A_38 = arith.constant 0 : i32
    %dma_start3A_39 = tpu.memref_slice %arg5[%dma_start3A_33, %dma_start3A_38] : memref<4x128xi32, #tpu.memory_space<vmem>> -> memref<1x128xi32, #tpu.memory_space<vmem>>
    %dma_start3A_40 = tpu.memref_squeeze %dma_start3A_39 : memref<1x128xi32, #tpu.memory_space<vmem>> -> memref<128xi32, #tpu.memory_space<vmem>>
    %dma_start3A_41 = arith.constant 0 : i32
    %dma_start3A_42 = arith.constant 0 : i32
    %dma_start3A_43 = tpu.memref_slice %arg7[%dma_start3A_41, %dma_start3A_42] : memref<128x128xf32, #tpu.memory_space<vmem_shared>> -> memref<128x128xf32, #tpu.memory_space<vmem_shared>>
    %dma_start3A_44 = tpu.memref_slice %arg10[%dma_start3A_34] : memref<4x!tpu.dma_semaphore, #tpu.memory_space<semaphore_mem>> -> memref<1x!tpu.dma_semaphore, #tpu.memory_space<semaphore_mem>>
    %dma_start3A_45 = tpu.memref_squeeze %dma_start3A_44 : memref<1x!tpu.dma_semaphore, #tpu.memory_space<semaphore_mem>> -> memref<!tpu.dma_semaphore, #tpu.memory_space<semaphore_mem>>
    tpu.enqueue_indirect_dma source(%dma_start3A_43 : memref<128x128xf32, #tpu.memory_space<vmem_shared>>) target(%dma_start3A_37 : memref<128x128xf32, #tpu.memory_space<vmem>>) offsets(%dma_start3A_40 : memref<128xi32, #tpu.memory_space<vmem>>) semaphore(%dma_start3A_45 : memref<!tpu.dma_semaphore, #tpu.memory_space<semaphore_mem>>)
    %dma_start3A_46 = arith.constant 1 : i32
    %dma_start3A_47 = arith.constant 1 : i32
    %dma_start3A_48 = arith.constant 128 : i32
    %dma_start3A_49 = arith.constant 0 : i32
    %dma_start3A_50 = tpu.memref_slice %arg6[%dma_start3A_48, %dma_start3A_49] : memref<512x128xf32, #tpu.memory_space<vmem>> -> memref<128x128xf32, #tpu.memory_space<vmem>>
    %dma_start3A_51 = arith.constant 0 : i32
    %dma_start3A_52 = tpu.memref_slice %arg5[%dma_start3A_46, %dma_start3A_51] : memref<4x128xi32, #tpu.memory_space<vmem>> -> memref<1x128xi32, #tpu.memory_space<vmem>>
    %dma_start3A_53 = tpu.memref_squeeze %dma_start3A_52 : memref<1x128xi32, #tpu.memory_space<vmem>> -> memref<128xi32, #tpu.memory_space<vmem>>
    %dma_start3A_54 = arith.constant 0 : i32
    %dma_start3A_55 = arith.constant 0 : i32
    %dma_start3A_56 = tpu.memref_slice %arg7[%dma_start3A_54, %dma_start3A_55] : memref<128x128xf32, #tpu.memory_space<vmem_shared>> -> memref<128x128xf32, #tpu.memory_space<vmem_shared>>
    %dma_start3A_57 = tpu.memref_slice %arg10[%dma_start3A_47] : memref<4x!tpu.dma_semaphore, #tpu.memory_space<semaphore_mem>> -> memref<1x!tpu.dma_semaphore, #tpu.memory_space<semaphore_mem>>
    %dma_start3A_58 = tpu.memref_squeeze %dma_start3A_57 : memref<1x!tpu.dma_semaphore, #tpu.memory_space<semaphore_mem>> -> memref<!tpu.dma_semaphore, #tpu.memory_space<semaphore_mem>>
    tpu.enqueue_indirect_dma source(%dma_start3A_56 : memref<128x128xf32, #tpu.memory_space<vmem_shared>>) target(%dma_start3A_50 : memref<128x128xf32, #tpu.memory_space<vmem>>) offsets(%dma_start3A_53 : memref<128xi32, #tpu.memory_space<vmem>>) semaphore(%dma_start3A_58 : memref<!tpu.dma_semaphore, #tpu.memory_space<semaphore_mem>>)
    %dma_start3A_59 = arith.constant 2 : i32
    %dma_start3A_60 = arith.constant 2 : i32
    %dma_start3A_61 = arith.constant 256 : i32
    %dma_start3A_62 = arith.constant 0 : i32
    %dma_start3A_63 = tpu.memref_slice %arg6[%dma_start3A_61, %dma_start3A_62] : memref<512x128xf32, #tpu.memory_space<vmem>> -> memref<128x128xf32, #tpu.memory_space<vmem>>
    %dma_start3A_64 = arith.constant 0 : i32
    %dma_start3A_65 = tpu.memref_slice %arg5[%dma_start3A_59, %dma_start3A_64] : memref<4x128xi32, #tpu.memory_space<vmem>> -> memref<1x128xi32, #tpu.memory_space<vmem>>
    %dma_start3A_66 = tpu.memref_squeeze %dma_start3A_65 : memref<1x128xi32, #tpu.memory_space<vmem>> -> memref<128xi32, #tpu.memory_space<vmem>>
    %dma_start3A_67 = arith.constant 0 : i32
    %dma_start3A_68 = arith.constant 0 : i32
    %dma_start3A_69 = tpu.memref_slice %arg7[%dma_start3A_67, %dma_start3A_68] : memref<128x128xf32, #tpu.memory_space<vmem_shared>> -> memref<128x128xf32, #tpu.memory_space<vmem_shared>>
    %dma_start3A_70 = tpu.memref_slice %arg10[%dma_start3A_60] : memref<4x!tpu.dma_semaphore, #tpu.memory_space<semaphore_mem>> -> memref<1x!tpu.dma_semaphore, #tpu.memory_space<semaphore_mem>>
    %dma_start3A_71 = tpu.memref_squeeze %dma_start3A_70 : memref<1x!tpu.dma_semaphore, #tpu.memory_space<semaphore_mem>> -> memref<!tpu.dma_semaphore, #tpu.memory_space<semaphore_mem>>
    tpu.enqueue_indirect_dma source(%dma_start3A_69 : memref<128x128xf32, #tpu.memory_space<vmem_shared>>) target(%dma_start3A_63 : memref<128x128xf32, #tpu.memory_space<vmem>>) offsets(%dma_start3A_66 : memref<128xi32, #tpu.memory_space<vmem>>) semaphore(%dma_start3A_71 : memref<!tpu.dma_semaphore, #tpu.memory_space<semaphore_mem>>)
    %dma_start3A_72 = arith.constant 3 : i32
    %dma_start3A_73 = arith.constant 3 : i32
    %dma_start3A_74 = arith.constant 384 : i32
    %dma_start3A_75 = arith.constant 0 : i32
    %dma_start3A_76 = tpu.memref_slice %arg6[%dma_start3A_74, %dma_start3A_75] : memref<512x128xf32, #tpu.memory_space<vmem>> -> memref<128x128xf32, #tpu.memory_space<vmem>>
    %dma_start3A_77 = arith.constant 0 : i32
    %dma_start3A_78 = tpu.memref_slice %arg5[%dma_start3A_72, %dma_start3A_77] : memref<4x128xi32, #tpu.memory_space<vmem>> -> memref<1x128xi32, #tpu.memory_space<vmem>>
    %dma_start3A_79 = tpu.memref_squeeze %dma_start3A_78 : memref<1x128xi32, #tpu.memory_space<vmem>> -> memref<128xi32, #tpu.memory_space<vmem>>
    %dma_start3A_80 = arith.constant 0 : i32
    %dma_start3A_81 = arith.constant 0 : i32
    %dma_start3A_82 = tpu.memref_slice %arg7[%dma_start3A_80, %dma_start3A_81] : memref<128x128xf32, #tpu.memory_space<vmem_shared>> -> memref<128x128xf32, #tpu.memory_space<vmem_shared>>
    %dma_start3A_83 = tpu.memref_slice %arg10[%dma_start3A_73] : memref<4x!tpu.dma_semaphore, #tpu.memory_space<semaphore_mem>> -> memref<1x!tpu.dma_semaphore, #tpu.memory_space<semaphore_mem>>
    %dma_start3A_84 = tpu.memref_squeeze %dma_start3A_83 : memref<1x!tpu.dma_semaphore, #tpu.memory_space<semaphore_mem>> -> memref<!tpu.dma_semaphore, #tpu.memory_space<semaphore_mem>>
    tpu.enqueue_indirect_dma source(%dma_start3A_82 : memref<128x128xf32, #tpu.memory_space<vmem_shared>>) target(%dma_start3A_76 : memref<128x128xf32, #tpu.memory_space<vmem>>) offsets(%dma_start3A_79 : memref<128xi32, #tpu.memory_space<vmem>>) semaphore(%dma_start3A_84 : memref<!tpu.dma_semaphore, #tpu.memory_space<semaphore_mem>>)
    %dma_wait3A_85 = arith.constant 0 : i32
    %dma_wait3A_86 = arith.constant 0 : i32
    %dma_wait3A_87 = arith.constant 0 : i32
    %dma_wait3A_88 = arith.constant 0 : i32
    %dma_wait3A_89 = tpu.memref_slice %arg6[%dma_wait3A_87, %dma_wait3A_88] : memref<512x128xf32, #tpu.memory_space<vmem>> -> memref<128x128xf32, #tpu.memory_space<vmem>>
    %dma_wait3A_90 = arith.constant 0 : i32
    %dma_wait3A_91 = tpu.memref_slice %arg5[%dma_wait3A_85, %dma_wait3A_90] : memref<4x128xi32, #tpu.memory_space<vmem>> -> memref<1x128xi32, #tpu.memory_space<vmem>>
    %dma_wait3A_92 = tpu.memref_squeeze %dma_wait3A_91 : memref<1x128xi32, #tpu.memory_space<vmem>> -> memref<128xi32, #tpu.memory_space<vmem>>
    %dma_wait3A_93 = arith.constant 0 : i32
    %dma_wait3A_94 = arith.constant 0 : i32
    %dma_wait3A_95 = tpu.memref_slice %arg7[%dma_wait3A_93, %dma_wait3A_94] : memref<128x128xf32, #tpu.memory_space<vmem_shared>> -> memref<128x128xf32, #tpu.memory_space<vmem_shared>>
    %dma_wait3A_96 = tpu.memref_slice %arg10[%dma_wait3A_86] : memref<4x!tpu.dma_semaphore, #tpu.memory_space<semaphore_mem>> -> memref<1x!tpu.dma_semaphore, #tpu.memory_space<semaphore_mem>>
    %dma_wait3A_97 = tpu.memref_squeeze %dma_wait3A_96 : memref<1x!tpu.dma_semaphore, #tpu.memory_space<semaphore_mem>> -> memref<!tpu.dma_semaphore, #tpu.memory_space<semaphore_mem>>
    tpu.wait_indirect_dma semaphore(%dma_wait3A_97 : memref<!tpu.dma_semaphore, #tpu.memory_space<semaphore_mem>>) src(%dma_wait3A_95 : memref<128x128xf32, #tpu.memory_space<vmem_shared>>) dst(%dma_wait3A_89 : memref<128x128xf32, #tpu.memory_space<vmem>>)
    %add3A_98 = arith.constant 0 : i32
    %add3A_99 = arith.addi %mul3A_2, %add3A_98 : i32
    %dma_start3A_100 = arith.constant 0 : i32
    %dma_start3A_101 = arith.constant 0 : i32
    %dma_start3A_102 = tpu.memref_slice %arg6[%dma_start3A_100, %dma_start3A_101] : memref<512x128xf32, #tpu.memory_space<vmem>> -> memref<128x128xf32, #tpu.memory_space<vmem>>
    %dma_start3A_103 = arith.constant 0 : i32
    %dma_start3A_104 = tpu.memref_slice %arg4[%add3A_99, %dma_start3A_103] : memref<16384x128xf32, #tpu.memory_space<hbm>> -> memref<128x128xf32, #tpu.memory_space<hbm>>
    %dma_start3A_105 = arith.constant 0 : i32
    %dma_start3A_106 = tpu.memref_slice %arg4[%add3A_99, %dma_start3A_105] : memref<16384x128xf32, #tpu.memory_space<hbm>> -> memref<128x128xf32, #tpu.memory_space<hbm>>
    %dma_start3A_107 = arith.constant 0 : i32
    %dma_start3A_108 = arith.constant 0 : i32
    %dma_start3A_109 = tpu.memref_slice %arg6[%dma_start3A_107, %dma_start3A_108] : memref<512x128xf32, #tpu.memory_space<vmem>> -> memref<128x128xf32, #tpu.memory_space<vmem>>
    tpu.enqueue_dma source(%dma_start3A_109 : memref<128x128xf32, #tpu.memory_space<vmem>>) target(%dma_start3A_106 : memref<128x128xf32, #tpu.memory_space<hbm>>) target_semaphore(%arg11 : memref<!tpu.dma_semaphore, #tpu.memory_space<semaphore_mem>>)
    %dma_wait3A_110 = arith.constant 1 : i32
    %dma_wait3A_111 = arith.constant 1 : i32
    %dma_wait3A_112 = arith.constant 128 : i32
    %dma_wait3A_113 = arith.constant 0 : i32
    %dma_wait3A_114 = tpu.memref_slice %arg6[%dma_wait3A_112, %dma_wait3A_113] : memref<512x128xf32, #tpu.memory_space<vmem>> -> memref<128x128xf32, #tpu.memory_space<vmem>>
    %dma_wait3A_115 = arith.constant 0 : i32
    %dma_wait3A_116 = tpu.memref_slice %arg5[%dma_wait3A_110, %dma_wait3A_115] : memref<4x128xi32, #tpu.memory_space<vmem>> -> memref<1x128xi32, #tpu.memory_space<vmem>>
    %dma_wait3A_117 = tpu.memref_squeeze %dma_wait3A_116 : memref<1x128xi32, #tpu.memory_space<vmem>> -> memref<128xi32, #tpu.memory_space<vmem>>
    %dma_wait3A_118 = arith.constant 0 : i32
    %dma_wait3A_119 = arith.constant 0 : i32
    %dma_wait3A_120 = tpu.memref_slice %arg7[%dma_wait3A_118, %dma_wait3A_119] : memref<128x128xf32, #tpu.memory_space<vmem_shared>> -> memref<128x128xf32, #tpu.memory_space<vmem_shared>>
    %dma_wait3A_121 = tpu.memref_slice %arg10[%dma_wait3A_111] : memref<4x!tpu.dma_semaphore, #tpu.memory_space<semaphore_mem>> -> memref<1x!tpu.dma_semaphore, #tpu.memory_space<semaphore_mem>>
    %dma_wait3A_122 = tpu.memref_squeeze %dma_wait3A_121 : memref<1x!tpu.dma_semaphore, #tpu.memory_space<semaphore_mem>> -> memref<!tpu.dma_semaphore, #tpu.memory_space<semaphore_mem>>
    tpu.wait_indirect_dma semaphore(%dma_wait3A_122 : memref<!tpu.dma_semaphore, #tpu.memory_space<semaphore_mem>>) src(%dma_wait3A_120 : memref<128x128xf32, #tpu.memory_space<vmem_shared>>) dst(%dma_wait3A_114 : memref<128x128xf32, #tpu.memory_space<vmem>>)
    %add3A_123 = arith.constant 128 : i32
    %add3A_124 = arith.addi %mul3A_2, %add3A_123 : i32
    %dma_start3A_125 = arith.constant 128 : i32
    %dma_start3A_126 = arith.constant 0 : i32
    %dma_start3A_127 = tpu.memref_slice %arg6[%dma_start3A_125, %dma_start3A_126] : memref<512x128xf32, #tpu.memory_space<vmem>> -> memref<128x128xf32, #tpu.memory_space<vmem>>
    %dma_start3A_128 = arith.constant 0 : i32
    %dma_start3A_129 = tpu.memref_slice %arg4[%add3A_124, %dma_start3A_128] : memref<16384x128xf32, #tpu.memory_space<hbm>> -> memref<128x128xf32, #tpu.memory_space<hbm>>
    %dma_start3A_130 = arith.constant 0 : i32
    %dma_start3A_131 = tpu.memref_slice %arg4[%add3A_124, %dma_start3A_130] : memref<16384x128xf32, #tpu.memory_space<hbm>> -> memref<128x128xf32, #tpu.memory_space<hbm>>
    %dma_start3A_132 = arith.constant 128 : i32
    %dma_start3A_133 = arith.constant 0 : i32
    %dma_start3A_134 = tpu.memref_slice %arg6[%dma_start3A_132, %dma_start3A_133] : memref<512x128xf32, #tpu.memory_space<vmem>> -> memref<128x128xf32, #tpu.memory_space<vmem>>
    tpu.enqueue_dma source(%dma_start3A_134 : memref<128x128xf32, #tpu.memory_space<vmem>>) target(%dma_start3A_131 : memref<128x128xf32, #tpu.memory_space<hbm>>) target_semaphore(%arg11 : memref<!tpu.dma_semaphore, #tpu.memory_space<semaphore_mem>>)
    %dma_wait3A_135 = arith.constant 2 : i32
    %dma_wait3A_136 = arith.constant 2 : i32
    %dma_wait3A_137 = arith.constant 256 : i32
    %dma_wait3A_138 = arith.constant 0 : i32
    %dma_wait3A_139 = tpu.memref_slice %arg6[%dma_wait3A_137, %dma_wait3A_138] : memref<512x128xf32, #tpu.memory_space<vmem>> -> memref<128x128xf32, #tpu.memory_space<vmem>>
    %dma_wait3A_140 = arith.constant 0 : i32
    %dma_wait3A_141 = tpu.memref_slice %arg5[%dma_wait3A_135, %dma_wait3A_140] : memref<4x128xi32, #tpu.memory_space<vmem>> -> memref<1x128xi32, #tpu.memory_space<vmem>>
    %dma_wait3A_142 = tpu.memref_squeeze %dma_wait3A_141 : memref<1x128xi32, #tpu.memory_space<vmem>> -> memref<128xi32, #tpu.memory_space<vmem>>
    %dma_wait3A_143 = arith.constant 0 : i32
    %dma_wait3A_144 = arith.constant 0 : i32
    %dma_wait3A_145 = tpu.memref_slice %arg7[%dma_wait3A_143, %dma_wait3A_144] : memref<128x128xf32, #tpu.memory_space<vmem_shared>> -> memref<128x128xf32, #tpu.memory_space<vmem_shared>>
    %dma_wait3A_146 = tpu.memref_slice %arg10[%dma_wait3A_136] : memref<4x!tpu.dma_semaphore, #tpu.memory_space<semaphore_mem>> -> memref<1x!tpu.dma_semaphore, #tpu.memory_space<semaphore_mem>>
    %dma_wait3A_147 = tpu.memref_squeeze %dma_wait3A_146 : memref<1x!tpu.dma_semaphore, #tpu.memory_space<semaphore_mem>> -> memref<!tpu.dma_semaphore, #tpu.memory_space<semaphore_mem>>
    tpu.wait_indirect_dma semaphore(%dma_wait3A_147 : memref<!tpu.dma_semaphore, #tpu.memory_space<semaphore_mem>>) src(%dma_wait3A_145 : memref<128x128xf32, #tpu.memory_space<vmem_shared>>) dst(%dma_wait3A_139 : memref<128x128xf32, #tpu.memory_space<vmem>>)
    %add3A_148 = arith.constant 256 : i32
    %add3A_149 = arith.addi %mul3A_2, %add3A_148 : i32
    %dma_start3A_150 = arith.constant 256 : i32
    %dma_start3A_151 = arith.constant 0 : i32
    %dma_start3A_152 = tpu.memref_slice %arg6[%dma_start3A_150, %dma_start3A_151] : memref<512x128xf32, #tpu.memory_space<vmem>> -> memref<128x128xf32, #tpu.memory_space<vmem>>
    %dma_start3A_153 = arith.constant 0 : i32
    %dma_start3A_154 = tpu.memref_slice %arg4[%add3A_149, %dma_start3A_153] : memref<16384x128xf32, #tpu.memory_space<hbm>> -> memref<128x128xf32, #tpu.memory_space<hbm>>
    %dma_start3A_155 = arith.constant 0 : i32
    %dma_start3A_156 = tpu.memref_slice %arg4[%add3A_149, %dma_start3A_155] : memref<16384x128xf32, #tpu.memory_space<hbm>> -> memref<128x128xf32, #tpu.memory_space<hbm>>
    %dma_start3A_157 = arith.constant 256 : i32
    %dma_start3A_158 = arith.constant 0 : i32
    %dma_start3A_159 = tpu.memref_slice %arg6[%dma_start3A_157, %dma_start3A_158] : memref<512x128xf32, #tpu.memory_space<vmem>> -> memref<128x128xf32, #tpu.memory_space<vmem>>
    tpu.enqueue_dma source(%dma_start3A_159 : memref<128x128xf32, #tpu.memory_space<vmem>>) target(%dma_start3A_156 : memref<128x128xf32, #tpu.memory_space<hbm>>) target_semaphore(%arg11 : memref<!tpu.dma_semaphore, #tpu.memory_space<semaphore_mem>>)
    %dma_wait3A_160 = arith.constant 3 : i32
    %dma_wait3A_161 = arith.constant 3 : i32
    %dma_wait3A_162 = arith.constant 384 : i32
    %dma_wait3A_163 = arith.constant 0 : i32
    %dma_wait3A_164 = tpu.memref_slice %arg6[%dma_wait3A_162, %dma_wait3A_163] : memref<512x128xf32, #tpu.memory_space<vmem>> -> memref<128x128xf32, #tpu.memory_space<vmem>>
    %dma_wait3A_165 = arith.constant 0 : i32
    %dma_wait3A_166 = tpu.memref_slice %arg5[%dma_wait3A_160, %dma_wait3A_165] : memref<4x128xi32, #tpu.memory_space<vmem>> -> memref<1x128xi32, #tpu.memory_space<vmem>>
    %dma_wait3A_167 = tpu.memref_squeeze %dma_wait3A_166 : memref<1x128xi32, #tpu.memory_space<vmem>> -> memref<128xi32, #tpu.memory_space<vmem>>
    %dma_wait3A_168 = arith.constant 0 : i32
    %dma_wait3A_169 = arith.constant 0 : i32
    %dma_wait3A_170 = tpu.memref_slice %arg7[%dma_wait3A_168, %dma_wait3A_169] : memref<128x128xf32, #tpu.memory_space<vmem_shared>> -> memref<128x128xf32, #tpu.memory_space<vmem_shared>>
    %dma_wait3A_171 = tpu.memref_slice %arg10[%dma_wait3A_161] : memref<4x!tpu.dma_semaphore, #tpu.memory_space<semaphore_mem>> -> memref<1x!tpu.dma_semaphore, #tpu.memory_space<semaphore_mem>>
    %dma_wait3A_172 = tpu.memref_squeeze %dma_wait3A_171 : memref<1x!tpu.dma_semaphore, #tpu.memory_space<semaphore_mem>> -> memref<!tpu.dma_semaphore, #tpu.memory_space<semaphore_mem>>
    tpu.wait_indirect_dma semaphore(%dma_wait3A_172 : memref<!tpu.dma_semaphore, #tpu.memory_space<semaphore_mem>>) src(%dma_wait3A_170 : memref<128x128xf32, #tpu.memory_space<vmem_shared>>) dst(%dma_wait3A_164 : memref<128x128xf32, #tpu.memory_space<vmem>>)
    %add3A_173 = arith.constant 384 : i32
    %add3A_174 = arith.addi %mul3A_2, %add3A_173 : i32
    %dma_start3A_175 = arith.constant 384 : i32
    %dma_start3A_176 = arith.constant 0 : i32
    %dma_start3A_177 = tpu.memref_slice %arg6[%dma_start3A_175, %dma_start3A_176] : memref<512x128xf32, #tpu.memory_space<vmem>> -> memref<128x128xf32, #tpu.memory_space<vmem>>
    %dma_start3A_178 = arith.constant 0 : i32
    %dma_start3A_179 = tpu.memref_slice %arg4[%add3A_174, %dma_start3A_178] : memref<16384x128xf32, #tpu.memory_space<hbm>> -> memref<128x128xf32, #tpu.memory_space<hbm>>
    %dma_start3A_180 = arith.constant 0 : i32
    %dma_start3A_181 = tpu.memref_slice %arg4[%add3A_174, %dma_start3A_180] : memref<16384x128xf32, #tpu.memory_space<hbm>> -> memref<128x128xf32, #tpu.memory_space<hbm>>
    %dma_start3A_182 = arith.constant 384 : i32
    %dma_start3A_183 = arith.constant 0 : i32
    %dma_start3A_184 = tpu.memref_slice %arg6[%dma_start3A_182, %dma_start3A_183] : memref<512x128xf32, #tpu.memory_space<vmem>> -> memref<128x128xf32, #tpu.memory_space<vmem>>
    tpu.enqueue_dma source(%dma_start3A_184 : memref<128x128xf32, #tpu.memory_space<vmem>>) target(%dma_start3A_181 : memref<128x128xf32, #tpu.memory_space<hbm>>) target_semaphore(%arg11 : memref<!tpu.dma_semaphore, #tpu.memory_space<semaphore_mem>>)
    %dma_wait3A_185 = arith.constant 0 : i32
    %dma_wait3A_186 = arith.constant 0 : i32
    %dma_wait3A_187 = tpu.memref_slice %arg6[%dma_wait3A_185, %dma_wait3A_186] : memref<512x128xf32, #tpu.memory_space<vmem>> -> memref<128x128xf32, #tpu.memory_space<vmem>>
    %dma_wait3A_188 = arith.constant 0 : i32
    %dma_wait3A_189 = tpu.memref_slice %arg4[%add3A_99, %dma_wait3A_188] : memref<16384x128xf32, #tpu.memory_space<hbm>> -> memref<128x128xf32, #tpu.memory_space<hbm>>
    %dma_wait3A_190 = arith.constant 0 : i32
    %dma_wait3A_191 = tpu.memref_slice %arg4[%add3A_99, %dma_wait3A_190] : memref<16384x128xf32, #tpu.memory_space<hbm>> -> memref<128x128xf32, #tpu.memory_space<hbm>>
    %dma_wait3A_192 = arith.constant 0 : i32
    %dma_wait3A_193 = arith.constant 0 : i32
    %dma_wait3A_194 = tpu.memref_slice %arg6[%dma_wait3A_192, %dma_wait3A_193] : memref<512x128xf32, #tpu.memory_space<vmem>> -> memref<128x128xf32, #tpu.memory_space<vmem>>
    tpu.wait_dma2 semaphore(%arg11 : memref<!tpu.dma_semaphore, #tpu.memory_space<semaphore_mem>>) src(%dma_wait3A_194 : memref<128x128xf32, #tpu.memory_space<vmem>>) dst(%dma_wait3A_191 : memref<128x128xf32, #tpu.memory_space<hbm>>)
    %dma_wait3A_195 = arith.constant 128 : i32
    %dma_wait3A_196 = arith.constant 0 : i32
    %dma_wait3A_197 = tpu.memref_slice %arg6[%dma_wait3A_195, %dma_wait3A_196] : memref<512x128xf32, #tpu.memory_space<vmem>> -> memref<128x128xf32, #tpu.memory_space<vmem>>
    %dma_wait3A_198 = arith.constant 0 : i32
    %dma_wait3A_199 = tpu.memref_slice %arg4[%add3A_124, %dma_wait3A_198] : memref<16384x128xf32, #tpu.memory_space<hbm>> -> memref<128x128xf32, #tpu.memory_space<hbm>>
    %dma_wait3A_200 = arith.constant 0 : i32
    %dma_wait3A_201 = tpu.memref_slice %arg4[%add3A_124, %dma_wait3A_200] : memref<16384x128xf32, #tpu.memory_space<hbm>> -> memref<128x128xf32, #tpu.memory_space<hbm>>
    %dma_wait3A_202 = arith.constant 128 : i32
    %dma_wait3A_203 = arith.constant 0 : i32
    %dma_wait3A_204 = tpu.memref_slice %arg6[%dma_wait3A_202, %dma_wait3A_203] : memref<512x128xf32, #tpu.memory_space<vmem>> -> memref<128x128xf32, #tpu.memory_space<vmem>>
    tpu.wait_dma2 semaphore(%arg11 : memref<!tpu.dma_semaphore, #tpu.memory_space<semaphore_mem>>) src(%dma_wait3A_204 : memref<128x128xf32, #tpu.memory_space<vmem>>) dst(%dma_wait3A_201 : memref<128x128xf32, #tpu.memory_space<hbm>>)
    %dma_wait3A_205 = arith.constant 256 : i32
    %dma_wait3A_206 = arith.constant 0 : i32
    %dma_wait3A_207 = tpu.memref_slice %arg6[%dma_wait3A_205, %dma_wait3A_206] : memref<512x128xf32, #tpu.memory_space<vmem>> -> memref<128x128xf32, #tpu.memory_space<vmem>>
    %dma_wait3A_208 = arith.constant 0 : i32
    %dma_wait3A_209 = tpu.memref_slice %arg4[%add3A_149, %dma_wait3A_208] : memref<16384x128xf32, #tpu.memory_space<hbm>> -> memref<128x128xf32, #tpu.memory_space<hbm>>
    %dma_wait3A_210 = arith.constant 0 : i32
    %dma_wait3A_211 = tpu.memref_slice %arg4[%add3A_149, %dma_wait3A_210] : memref<16384x128xf32, #tpu.memory_space<hbm>> -> memref<128x128xf32, #tpu.memory_space<hbm>>
    %dma_wait3A_212 = arith.constant 256 : i32
    %dma_wait3A_213 = arith.constant 0 : i32
    %dma_wait3A_214 = tpu.memref_slice %arg6[%dma_wait3A_212, %dma_wait3A_213] : memref<512x128xf32, #tpu.memory_space<vmem>> -> memref<128x128xf32, #tpu.memory_space<vmem>>
    tpu.wait_dma2 semaphore(%arg11 : memref<!tpu.dma_semaphore, #tpu.memory_space<semaphore_mem>>) src(%dma_wait3A_214 : memref<128x128xf32, #tpu.memory_space<vmem>>) dst(%dma_wait3A_211 : memref<128x128xf32, #tpu.memory_space<hbm>>)
    %dma_wait3A_215 = arith.constant 384 : i32
    %dma_wait3A_216 = arith.constant 0 : i32
    %dma_wait3A_217 = tpu.memref_slice %arg6[%dma_wait3A_215, %dma_wait3A_216] : memref<512x128xf32, #tpu.memory_space<vmem>> -> memref<128x128xf32, #tpu.memory_space<vmem>>
    %dma_wait3A_218 = arith.constant 0 : i32
    %dma_wait3A_219 = tpu.memref_slice %arg4[%add3A_174, %dma_wait3A_218] : memref<16384x128xf32, #tpu.memory_space<hbm>> -> memref<128x128xf32, #tpu.memory_space<hbm>>
    %dma_wait3A_220 = arith.constant 0 : i32
    %dma_wait3A_221 = tpu.memref_slice %arg4[%add3A_174, %dma_wait3A_220] : memref<16384x128xf32, #tpu.memory_space<hbm>> -> memref<128x128xf32, #tpu.memory_space<hbm>>
    %dma_wait3A_222 = arith.constant 384 : i32
    %dma_wait3A_223 = arith.constant 0 : i32
    %dma_wait3A_224 = tpu.memref_slice %arg6[%dma_wait3A_222, %dma_wait3A_223] : memref<512x128xf32, #tpu.memory_space<vmem>> -> memref<128x128xf32, #tpu.memory_space<vmem>>
    tpu.wait_dma2 semaphore(%arg11 : memref<!tpu.dma_semaphore, #tpu.memory_space<semaphore_mem>>) src(%dma_wait3A_224 : memref<128x128xf32, #tpu.memory_space<vmem>>) dst(%dma_wait3A_221 : memref<128x128xf32, #tpu.memory_space<hbm>>)
    return
  }
}

module attributes {stable_mosaic.version = 14 : i64} {
  func.func @_table_body(%arg0: memref<16384xi32, #tpu.memory_space<vmem>>, %arg1: memref<16384xi32, #tpu.memory_space<vmem>>, %arg2: memref<16384xi32, #tpu.memory_space<vmem>>, %arg3: memref<32x32xf32, #tpu.memory_space<vmem>>, %arg4: memref<32xf32, #tpu.memory_space<vmem>>, %arg5: memref<32xf32, #tpu.memory_space<vmem>>, %arg6: memref<2x32xf32, #tpu.memory_space<vmem>>, %arg7: memref<32xf32, #tpu.memory_space<vmem>>, %arg8: memref<32xf32, #tpu.memory_space<vmem>>, %arg9: memref<2x32xf32, #tpu.memory_space<vmem>>, %arg10: memref<32xf32, #tpu.memory_space<vmem>>, %arg11: memref<32xf32, #tpu.memory_space<vmem>>, %arg12: memref<96x128xf32, #tpu.memory_space<vmem>>, %arg13: memref<128xf32, #tpu.memory_space<vmem>>, %arg14: memref<128x128xf32, #tpu.memory_space<vmem>>, %arg15: memref<128x128xi32, #tpu.memory_space<vmem>>) attributes {dimension_semantics = [], scalar_prefetch = 0 : i64, scratch_operands = 0 : i64, tpu.core_type = #tpu.core_type<tc>} {
    %get3A = arith.constant 0 : index
    %get3A_0 = vector.load %arg0[%get3A] : memref<16384xi32, #tpu.memory_space<vmem>>, vector<16384xi32>
    %mul3A = arith.constant 4 : i32
    %mul3A_1 = vector.broadcast %mul3A : i32 to vector<16384xi32>
    %mul3A_2 = arith.muli %get3A_0, %mul3A_1 : vector<16384xi32>
    %get3A_3 = arith.constant 0 : index
    %get3A_4 = vector.load %arg1[%get3A_3] : memref<16384xi32, #tpu.memory_space<vmem>>, vector<16384xi32>
    %mul3A_5 = arith.constant 2 : i32
    %mul3A_6 = vector.broadcast %mul3A_5 : i32 to vector<16384xi32>
    %mul3A_7 = arith.muli %get3A_4, %mul3A_6 : vector<16384xi32>
    %add3A = arith.addi %mul3A_2, %mul3A_7 : vector<16384xi32>
    %get3A_8 = arith.constant 0 : index
    %get3A_9 = vector.load %arg2[%get3A_8] : memref<16384xi32, #tpu.memory_space<vmem>>, vector<16384xi32>
    %add3A_10 = arith.addi %add3A, %get3A_9 : vector<16384xi32>
    %reshape3A = vector.shape_cast %add3A_10 : vector<16384xi32> to vector<128x128xi32>
    %swap3A = arith.constant 0 : index
    %swap3A_11 = arith.constant 0 : index
    %swap3A_12 = vector.load %arg15[%swap3A, %swap3A_11] : memref<128x128xi32, #tpu.memory_space<vmem>>, vector<128x128xi32>
    tpu.vector_store %arg15[%swap3A, %swap3A_11], %reshape3A {strides = array<i32>} : memref<128x128xi32, #tpu.memory_space<vmem>>, vector<128x128xi32>,
    %get3A_13 = arith.constant 0 : index
    %get3A_14 = vector.load %arg4[%get3A_13] : memref<32xf32, #tpu.memory_space<vmem>>, vector<32xf32>
    %reshape3A_15 = vector.shape_cast %get3A_14 : vector<32xf32> to vector<1x32xf32>
    %get3A_16 = arith.constant 0 : index
    %get3A_17 = vector.load %arg5[%get3A_16] : memref<32xf32, #tpu.memory_space<vmem>>, vector<32xf32>
    %reshape3A_18 = vector.shape_cast %get3A_17 : vector<32xf32> to vector<1x32xf32>
    %get3A_19 = arith.constant 0 : index
    %get3A_20 = vector.load %arg7[%get3A_19] : memref<32xf32, #tpu.memory_space<vmem>>, vector<32xf32>
    %reshape3A_21 = vector.shape_cast %get3A_20 : vector<32xf32> to vector<1x32xf32>
    %get3A_22 = arith.constant 0 : index
    %get3A_23 = vector.load %arg8[%get3A_22] : memref<32xf32, #tpu.memory_space<vmem>>, vector<32xf32>
    %reshape3A_24 = vector.shape_cast %get3A_23 : vector<32xf32> to vector<1x32xf32>
    %get3A_25 = arith.constant 0 : index
    %get3A_26 = vector.load %arg10[%get3A_25] : memref<32xf32, #tpu.memory_space<vmem>>, vector<32xf32>
    %reshape3A_27 = vector.shape_cast %get3A_26 : vector<32xf32> to vector<1x32xf32>
    %get3A_28 = arith.constant 0 : index
    %get3A_29 = vector.load %arg11[%get3A_28] : memref<32xf32, #tpu.memory_space<vmem>>, vector<32xf32>
    %reshape3A_30 = vector.shape_cast %get3A_29 : vector<32xf32> to vector<1x32xf32>
    %get3A_31 = arith.constant 0 : index
    %get3A_32 = vector.load %arg13[%get3A_31] : memref<128xf32, #tpu.memory_space<vmem>>, vector<128xf32>
    %reshape3A_33 = vector.shape_cast %get3A_32 : vector<128xf32> to vector<1x128xf32>
    %get3A_34 = arith.constant 0 : index
    %get3A_35 = arith.constant 0 : index
    %get3A_36 = vector.load %arg3[%get3A_34, %get3A_35] : memref<32x32xf32, #tpu.memory_space<vmem>>, vector<32x32xf32>
    %reduce_sum3A = arith.constant dense<0.000000e+00> : vector<32xf32>
    %reduce_sum3A_37 = vector.multi_reduction <add>, %get3A_36, %reduce_sum3A [1] : vector<32x32xf32> to vector<32xf32>
    %broadcast_in_dim3A = vector.shape_cast %reduce_sum3A_37 : vector<32xf32> to vector<32x1xf32>
    %div3A = arith.constant 3.200000e+01 : f32
    %div3A_38 = vector.broadcast %div3A : f32 to vector<32x1xf32>
    %div3A_39 = arith.divf %broadcast_in_dim3A, %div3A_38 : vector<32x1xf32>
    %sub3A = vector.broadcast %div3A_39 : vector<32x1xf32> to vector<32x32xf32>
    %sub3A_40 = arith.subf %get3A_36, %sub3A : vector<32x32xf32>
    %integer_pow3A = arith.mulf %sub3A_40, %sub3A_40 : vector<32x32xf32>
    %reduce_sum3A_41 = arith.constant dense<0.000000e+00> : vector<32xf32>
    %reduce_sum3A_42 = vector.multi_reduction <add>, %integer_pow3A, %reduce_sum3A_41 [1] : vector<32x32xf32> to vector<32xf32>
    %broadcast_in_dim3A_43 = vector.shape_cast %reduce_sum3A_42 : vector<32xf32> to vector<32x1xf32>
    %div3A_44 = arith.constant 3.200000e+01 : f32
    %div3A_45 = vector.broadcast %div3A_44 : f32 to vector<32x1xf32>
    %div3A_46 = arith.divf %broadcast_in_dim3A_43, %div3A_45 : vector<32x1xf32>
    %sub3A_47 = vector.broadcast %div3A_39 : vector<32x1xf32> to vector<32x32xf32>
    %sub3A_48 = arith.subf %get3A_36, %sub3A_47 : vector<32x32xf32>
    %add3A_49 = arith.constant 9.99999974E-6 : f32
    %add3A_50 = vector.broadcast %add3A_49 : f32 to vector<32x1xf32>
    %add3A_51 = arith.addf %div3A_46, %add3A_50 : vector<32x1xf32>
    %rsqrt3A = math.rsqrt %add3A_51 : vector<32x1xf32>
    %mul3A_52 = vector.broadcast %rsqrt3A : vector<32x1xf32> to vector<32x32xf32>
    %mul3A_53 = arith.mulf %sub3A_48, %mul3A_52 : vector<32x32xf32>
    %mul3A_54 = vector.broadcast %reshape3A_15 : vector<1x32xf32> to vector<32x32xf32>
    %mul3A_55 = arith.mulf %mul3A_53, %mul3A_54 : vector<32x32xf32>
    %add3A_56 = vector.broadcast %reshape3A_18 : vector<1x32xf32> to vector<32x32xf32>
    %add3A_57 = arith.addf %mul3A_55, %add3A_56 : vector<32x32xf32>
    %get3A_58 = arith.constant 0 : index
    %get3A_59 = arith.constant 0 : index
    %get3A_60 = vector.load %arg6[%get3A_58, %get3A_59] : memref<2x32xf32, #tpu.memory_space<vmem>>, vector<2x32xf32>
    %reduce_sum3A_61 = arith.constant dense<0.000000e+00> : vector<2xf32>
    %reduce_sum3A_62 = vector.multi_reduction <add>, %get3A_60, %reduce_sum3A_61 [1] : vector<2x32xf32> to vector<2xf32>
    %broadcast_in_dim3A_63 = vector.shape_cast %reduce_sum3A_62 : vector<2xf32> to vector<2x1xf32>
    %div3A_64 = arith.constant 3.200000e+01 : f32
    %div3A_65 = vector.broadcast %div3A_64 : f32 to vector<2x1xf32>
    %div3A_66 = arith.divf %broadcast_in_dim3A_63, %div3A_65 : vector<2x1xf32>
    %sub3A_67 = vector.broadcast %div3A_66 : vector<2x1xf32> to vector<2x32xf32>
    %sub3A_68 = arith.subf %get3A_60, %sub3A_67 : vector<2x32xf32>
    %integer_pow3A_69 = arith.mulf %sub3A_68, %sub3A_68 : vector<2x32xf32>
    %reduce_sum3A_70 = arith.constant dense<0.000000e+00> : vector<2xf32>
    %reduce_sum3A_71 = vector.multi_reduction <add>, %integer_pow3A_69, %reduce_sum3A_70 [1] : vector<2x32xf32> to vector<2xf32>
    %broadcast_in_dim3A_72 = vector.shape_cast %reduce_sum3A_71 : vector<2xf32> to vector<2x1xf32>
    %div3A_73 = arith.constant 3.200000e+01 : f32
    %div3A_74 = vector.broadcast %div3A_73 : f32 to vector<2x1xf32>
    %div3A_75 = arith.divf %broadcast_in_dim3A_72, %div3A_74 : vector<2x1xf32>
    %sub3A_76 = vector.broadcast %div3A_66 : vector<2x1xf32> to vector<2x32xf32>
    %sub3A_77 = arith.subf %get3A_60, %sub3A_76 : vector<2x32xf32>
    %add3A_78 = arith.constant 9.99999974E-6 : f32
    %add3A_79 = vector.broadcast %add3A_78 : f32 to vector<2x1xf32>
    %add3A_80 = arith.addf %div3A_75, %add3A_79 : vector<2x1xf32>
    %rsqrt3A_81 = math.rsqrt %add3A_80 : vector<2x1xf32>
    %mul3A_82 = vector.broadcast %rsqrt3A_81 : vector<2x1xf32> to vector<2x32xf32>
    %mul3A_83 = arith.mulf %sub3A_77, %mul3A_82 : vector<2x32xf32>
    %mul3A_84 = vector.broadcast %reshape3A_21 : vector<1x32xf32> to vector<2x32xf32>
    %mul3A_85 = arith.mulf %mul3A_83, %mul3A_84 : vector<2x32xf32>
    %add3A_86 = vector.broadcast %reshape3A_24 : vector<1x32xf32> to vector<2x32xf32>
    %add3A_87 = arith.addf %mul3A_85, %add3A_86 : vector<2x32xf32>
    %get3A_88 = arith.constant 0 : index
    %get3A_89 = arith.constant 0 : index
    %get3A_90 = vector.load %arg9[%get3A_88, %get3A_89] : memref<2x32xf32, #tpu.memory_space<vmem>>, vector<2x32xf32>
    %reduce_sum3A_91 = arith.constant dense<0.000000e+00> : vector<2xf32>
    %reduce_sum3A_92 = vector.multi_reduction <add>, %get3A_90, %reduce_sum3A_91 [1] : vector<2x32xf32> to vector<2xf32>
    %broadcast_in_dim3A_93 = vector.shape_cast %reduce_sum3A_92 : vector<2xf32> to vector<2x1xf32>
    %div3A_94 = arith.constant 3.200000e+01 : f32
    %div3A_95 = vector.broadcast %div3A_94 : f32 to vector<2x1xf32>
    %div3A_96 = arith.divf %broadcast_in_dim3A_93, %div3A_95 : vector<2x1xf32>
    %sub3A_97 = vector.broadcast %div3A_96 : vector<2x1xf32> to vector<2x32xf32>
    %sub3A_98 = arith.subf %get3A_90, %sub3A_97 : vector<2x32xf32>
    %integer_pow3A_99 = arith.mulf %sub3A_98, %sub3A_98 : vector<2x32xf32>
    %reduce_sum3A_100 = arith.constant dense<0.000000e+00> : vector<2xf32>
    %reduce_sum3A_101 = vector.multi_reduction <add>, %integer_pow3A_99, %reduce_sum3A_100 [1] : vector<2x32xf32> to vector<2xf32>
    %broadcast_in_dim3A_102 = vector.shape_cast %reduce_sum3A_101 : vector<2xf32> to vector<2x1xf32>
    %div3A_103 = arith.constant 3.200000e+01 : f32
    %div3A_104 = vector.broadcast %div3A_103 : f32 to vector<2x1xf32>
    %div3A_105 = arith.divf %broadcast_in_dim3A_102, %div3A_104 : vector<2x1xf32>
    %sub3A_106 = vector.broadcast %div3A_96 : vector<2x1xf32> to vector<2x32xf32>
    %sub3A_107 = arith.subf %get3A_90, %sub3A_106 : vector<2x32xf32>
    %add3A_108 = arith.constant 9.99999974E-6 : f32
    %add3A_109 = vector.broadcast %add3A_108 : f32 to vector<2x1xf32>
    %add3A_110 = arith.addf %div3A_105, %add3A_109 : vector<2x1xf32>
    %rsqrt3A_111 = math.rsqrt %add3A_110 : vector<2x1xf32>
    %mul3A_112 = vector.broadcast %rsqrt3A_111 : vector<2x1xf32> to vector<2x32xf32>
    %mul3A_113 = arith.mulf %sub3A_107, %mul3A_112 : vector<2x32xf32>
    %mul3A_114 = vector.broadcast %reshape3A_27 : vector<1x32xf32> to vector<2x32xf32>
    %mul3A_115 = arith.mulf %mul3A_113, %mul3A_114 : vector<2x32xf32>
    %add3A_116 = vector.broadcast %reshape3A_30 : vector<1x32xf32> to vector<2x32xf32>
    %add3A_117 = arith.addf %mul3A_115, %add3A_116 : vector<2x32xf32>
    %get3A_118 = arith.constant 0 : index
    %get3A_119 = arith.constant 0 : index
    %get3A_120 = vector.load %arg12[%get3A_118, %get3A_119] : memref<96x128xf32, #tpu.memory_space<vmem>>, vector<96x128xf32>
    %slice3A = vector.extract_strided_slice %get3A_120 {offsets = [0, 0], sizes = [32, 128], strides = [1, 1]} : vector<96x128xf32> to vector<32x128xf32>
    %dot_general3A = arith.constant dense<0.000000e+00> : vector<32x128xf32>
    %dot_general3A_121 = tpu.matmul %add3A_57, %slice3A, %dot_general3A {dimension_numbers = #tpu.dot_dimension_numbers<[1], [0], [0], [1], [0, 0, 1, 1], [], []>, transpose_lhs_hint = false} : vector<32x32xf32>, vector<32x128xf32>, vector<32x128xf32> -> vector<32x128xf32>
    %slice3A_122 = vector.extract_strided_slice %get3A_120 {offsets = [32, 0], sizes = [32, 128], strides = [1, 1]} : vector<96x128xf32> to vector<32x128xf32>
    %dot_general3A_123 = arith.constant dense<0.000000e+00> : vector<2x128xf32>
    %dot_general3A_124 = tpu.matmul %add3A_87, %slice3A_122, %dot_general3A_123 {dimension_numbers = #tpu.dot_dimension_numbers<[1], [0], [0], [1], [0, 0, 1, 1], [], []>, transpose_lhs_hint = false} : vector<2x32xf32>, vector<32x128xf32>, vector<2x128xf32> -> vector<2x128xf32>
    %slice3A_125 = vector.extract_strided_slice %get3A_120 {offsets = [64, 0], sizes = [32, 128], strides = [1, 1]} : vector<96x128xf32> to vector<32x128xf32>
    %dot_general3A_126 = arith.constant dense<0.000000e+00> : vector<2x128xf32>
    %dot_general3A_127 = tpu.matmul %add3A_117, %slice3A_125, %dot_general3A_126 {dimension_numbers = #tpu.dot_dimension_numbers<[1], [0], [0], [1], [0, 0, 1, 1], [], []>, transpose_lhs_hint = false} : vector<2x32xf32>, vector<32x128xf32>, vector<2x128xf32> -> vector<2x128xf32>
    %iota3A = tpu.iota {dimensions = array<i32: 0>} : vector<128x32xi32>
    %iota3A_128 = tpu.iota {dimensions = array<i32: 1>} : vector<128x32xi32>
    %jit3A = arith.constant 4 : i32
    %div3A_129 = vector.broadcast %jit3A : i32 to vector<128x32xi32>
    %div3A_130 = arith.divsi %iota3A, %div3A_129 : vector<128x32xi32>
    %sign3A = arith.constant 0 : i32
    %sign3A_131 = vector.broadcast %sign3A : i32 to vector<128x32xi32>
    %sign3A_132 = arith.cmpi sgt, %iota3A, %sign3A_131 : vector<128x32xi32>
    %sign3A_133 = arith.extui %sign3A_132 : vector<128x32xi1> to vector<128x32xi32>
    %sign3A_134 = arith.constant 0 : i32
    %sign3A_135 = vector.broadcast %sign3A_134 : i32 to vector<128x32xi32>
    %sign3A_136 = arith.cmpi slt, %iota3A, %sign3A_135 : vector<128x32xi32>
    %sign3A_137 = arith.extui %sign3A_136 : vector<128x32xi1> to vector<128x32xi32>
    %sign3A_138 = arith.subi %sign3A_133, %sign3A_137 : vector<128x32xi32>
    %sign3A_139 = arith.constant 0 : i32
    %sign3A_140 = arith.cmpi sgt, %jit3A, %sign3A_139 : i32
    %sign3A_141 = arith.extui %sign3A_140 : i1 to i32
    %sign3A_142 = arith.constant 0 : i32
    %sign3A_143 = arith.cmpi slt, %jit3A, %sign3A_142 : i32
    %sign3A_144 = arith.extui %sign3A_143 : i1 to i32
    %sign3A_145 = arith.subi %sign3A_141, %sign3A_144 : i32
    %ne3A = vector.broadcast %sign3A_145 : i32 to vector<128x32xi32>
    %ne3A_146 = arith.cmpi ne, %sign3A_138, %ne3A : vector<128x32xi32>
    %rem3A = vector.broadcast %jit3A : i32 to vector<128x32xi32>
    %rem3A_147 = arith.remsi %iota3A, %rem3A : vector<128x32xi32>
    %ne3A_148 = arith.constant 0 : i32
    %ne3A_149 = vector.broadcast %ne3A_148 : i32 to vector<128x32xi32>
    %ne3A_150 = arith.cmpi ne, %rem3A_147, %ne3A_149 : vector<128x32xi32>
    %and3A = arith.andi %ne3A_146, %ne3A_150 : vector<128x32xi1>
    %sub3A_151 = arith.constant 1 : i32
    %sub3A_152 = vector.broadcast %sub3A_151 : i32 to vector<128x32xi32>
    %sub3A_153 = arith.subi %div3A_130, %sub3A_152 : vector<128x32xi32>
    %select_n3A = arith.select %and3A, %sub3A_153, %div3A_130 : vector<128x32xi1>, vector<128x32xi32>
    %eq3A = arith.cmpi eq, %select_n3A, %iota3A_128 : vector<128x32xi32>
    %convert_element_type3A = arith.extui %eq3A : vector<128x32xi1> to vector<128x32xi32>
    %convert_element_type3A_154 = arith.sitofp %convert_element_type3A : vector<128x32xi32> to vector<128x32xf32>
    %dot_general3A_155 = arith.constant dense<0.000000e+00> : vector<128x128xf32>
    %dot_general3A_156 = tpu.matmul %convert_element_type3A_154, %dot_general3A_121, %dot_general3A_155 {dimension_numbers = #tpu.dot_dimension_numbers<[1], [0], [0], [1], [0, 0, 1, 1], [], []>, transpose_lhs_hint = false} : vector<128x32xf32>, vector<32x128xf32>, vector<128x128xf32> -> vector<128x128xf32>
    %iota3A_157 = tpu.iota {dimensions = array<i32: 0>} : vector<128x128xi32>
    %shift_right_arithmetic3A = arith.constant 1 : i32
    %shift_right_arithmetic3A_158 = vector.broadcast %shift_right_arithmetic3A : i32 to vector<128x128xi32>
    %shift_right_arithmetic3A_159 = arith.shrsi %iota3A_157, %shift_right_arithmetic3A_158 : vector<128x128xi32>
    %and3A_160 = arith.constant 1 : i32
    %and3A_161 = vector.broadcast %and3A_160 : i32 to vector<128x128xi32>
    %and3A_162 = arith.andi %shift_right_arithmetic3A_159, %and3A_161 : vector<128x128xi32>
    %convert_element_type3A_163 = arith.sitofp %and3A_162 : vector<128x128xi32> to vector<128x128xf32>
    %and3A_164 = arith.constant 1 : i32
    %and3A_165 = vector.broadcast %and3A_164 : i32 to vector<128x128xi32>
    %and3A_166 = arith.andi %iota3A_157, %and3A_165 : vector<128x128xi32>
    %convert_element_type3A_167 = arith.sitofp %and3A_166 : vector<128x128xi32> to vector<128x128xf32>
    %slice3A_168 = vector.extract_strided_slice %dot_general3A_124 {offsets = [0, 0], sizes = [1, 128], strides = [1, 1]} : vector<2x128xf32> to vector<1x128xf32>
    %add3A_169 = vector.broadcast %slice3A_168 : vector<1x128xf32> to vector<128x128xf32>
    %add3A_170 = arith.addf %dot_general3A_156, %add3A_169 : vector<128x128xf32>
    %slice3A_171 = vector.extract_strided_slice %dot_general3A_124 {offsets = [1, 0], sizes = [1, 128], strides = [1, 1]} : vector<2x128xf32> to vector<1x128xf32>
    %slice3A_172 = vector.extract_strided_slice %dot_general3A_124 {offsets = [0, 0], sizes = [1, 128], strides = [1, 1]} : vector<2x128xf32> to vector<1x128xf32>
    %sub3A_173 = arith.subf %slice3A_171, %slice3A_172 : vector<1x128xf32>
    %mul3A_174 = vector.broadcast %sub3A_173 : vector<1x128xf32> to vector<128x128xf32>
    %mul3A_175 = arith.mulf %convert_element_type3A_163, %mul3A_174 : vector<128x128xf32>
    %add3A_176 = arith.addf %add3A_170, %mul3A_175 : vector<128x128xf32>
    %slice3A_177 = vector.extract_strided_slice %dot_general3A_127 {offsets = [0, 0], sizes = [1, 128], strides = [1, 1]} : vector<2x128xf32> to vector<1x128xf32>
    %add3A_178 = vector.broadcast %slice3A_177 : vector<1x128xf32> to vector<128x128xf32>
    %add3A_179 = arith.addf %add3A_176, %add3A_178 : vector<128x128xf32>
    %slice3A_180 = vector.extract_strided_slice %dot_general3A_127 {offsets = [1, 0], sizes = [1, 128], strides = [1, 1]} : vector<2x128xf32> to vector<1x128xf32>
    %slice3A_181 = vector.extract_strided_slice %dot_general3A_127 {offsets = [0, 0], sizes = [1, 128], strides = [1, 1]} : vector<2x128xf32> to vector<1x128xf32>
    %sub3A_182 = arith.subf %slice3A_180, %slice3A_181 : vector<1x128xf32>
    %mul3A_183 = vector.broadcast %sub3A_182 : vector<1x128xf32> to vector<128x128xf32>
    %mul3A_184 = arith.mulf %convert_element_type3A_167, %mul3A_183 : vector<128x128xf32>
    %add3A_185 = arith.addf %add3A_179, %mul3A_184 : vector<128x128xf32>
    %add3A_186 = vector.broadcast %reshape3A_33 : vector<1x128xf32> to vector<128x128xf32>
    %add3A_187 = arith.addf %add3A_185, %add3A_186 : vector<128x128xf32>
    %neg3A = arith.constant 0.000000e+00 : f32
    %neg3A_188 = vector.broadcast %neg3A : f32 to vector<128x128xf32>
    %neg3A_189 = arith.subf %neg3A_188, %add3A_187 : vector<128x128xf32>
    %exp3A = math.exp %neg3A_189 : vector<128x128xf32>
    %add3A_190 = arith.constant 1.000000e+00 : f32
    %add3A_191 = vector.broadcast %add3A_190 : f32 to vector<128x128xf32>
    %add3A_192 = arith.addf %add3A_191, %exp3A : vector<128x128xf32>
    %div3A_193 = arith.constant 1.000000e+00 : f32
    %div3A_194 = vector.broadcast %div3A_193 : f32 to vector<128x128xf32>
    %div3A_195 = arith.divf %div3A_194, %add3A_192 : vector<128x128xf32>
    %mul3A_196 = arith.mulf %add3A_187, %div3A_195 : vector<128x128xf32>
    %swap3A_197 = arith.constant 0 : index
    %swap3A_198 = arith.constant 0 : index
    %swap3A_199 = vector.load %arg14[%swap3A_197, %swap3A_198] : memref<128x128xf32, #tpu.memory_space<vmem>>, vector<128x128xf32>
    tpu.vector_store %arg14[%swap3A_197, %swap3A_198], %mul3A_196 {strides = array<i32>} : memref<128x128xf32, #tpu.memory_space<vmem>>, vector<128x128xf32>,
    return
  }
}

</mosaic_0001>

<sc_bundles>
// kernel: kernel.4.cloned.1.call-start
scs
__scs_entry_jumppad:
0x0: {  	(pc) =	sbr.rel $0x88, $3  }
0x1: {  	(tag) =	ssettag $0x0;
	lr =	simm.s32 $0x1  }
0x2: {  	[smem:$0x3F93] =	sst lr;
	_ =	strace $0xD0000000  }
0x3: {  	_ = 	snop  }
0x4: {  	_ = 	snop  }
0x5: {  	_ = 	snop  }
0x6: {  	_ = 	snop  }
0x7: {  	_ = 	snop  }
__scs_overlays_trampoline_lowered:
0x8: {  	[smem:$0x3FA2] =	sst s0  }
0x9: {  	[smem:$0x3FA3] =	sst s1  }
0xa: {  	[smem:$0x3FA4] =	sst s2  }
0xb: {  	[smem:$0x3FA5] =	sst s3  }
0xc: {  	[smem:$0x3FA6] =	sst s4  }
0xd: {  	[smem:$0x3FA7] =	sst s5  }
0xe: {  	[smem:$0x3FA8] =	sst s6  }
0xf: {  	[smem:$0x3FA9] =	sst s7  }
0x10: {  	[smem:$0x3FAA] =	sst s8  }
0x11: {  	[smem:$0x3FAB] =	sst s9;
	s0 =	simm.s32 @!p0 $0x0  }
0x12: {  	s1 =	sld [smem:$0x3F91];
	s0 =	simm.s32 @p0 $0x1  }
0x13: {  	[smem:$0x3FAC] =	sst s0;
	s0 =	simm.s32 @!p1 $0x0  }
0x14: {  	s2 =	sld [smem:$0x3F90];
	s0 =	simm.s32 @p1 $0x1  }
0x15: {  	[smem:$0x3FAD] =	sst s0;
	s0 =	simm.s32 @!p2 $0x0  }
0x16: {  	s3 =	sld [smem:$0x3FDB];
	s0 =	simm.s32 @p2 $0x1  }
0x17: {  	s4 =	simm.s32 $0x1BF5;
	[smem:$0x3FAF] =	sst s0  }
0x18: {  	s0 =	sld [smem:$0x3F92];
	_ =	swait.ge [sflag:s4], $0x0  }
0x19: {  	s7 =	sld [smem:$0x3F93]  }
0x1a: {  	s8 =	sadd.s32 $0xFFFFE003, lr  }
0x1b: {  	s9 =	sadd.s32 $0xFFFFFEF7, lr;
	s5 =	simm.s32 $0xFFFFFFFF;
	p2 =	slt.u32 s8, $0xFFFFF086  }
0x1c: {  	p1 =	slt.u32 s9, $0xF7A;
	s5 =	simm.s32 @!p2 $0x0  }
0x1d: {  	s5 =	simm.s32 @p1 $0x1;
	p0 =	seq.s32 s7, s2  }
0x1e: {  	s7 =	smul.u32 @!p0 $0xF7A, s2;
	p2 =	seq.s32 @!p0 s5, $0x0  }
0x1f: {  	s9 =	smul.u32 $0xF7A, s1;
	s8 =	simm.s32 @!p0 $0x1BF5;
	p2 =	por !p2, p0  }
0x20: {  	[sflag:s8] =	ssyncset.s32 @!p0 $0xFFFFF086;
	s6 =	sadd.s32 @!p0 s3, s7;
	s7 =	simm.s32 @!p0 $0x108  }
0x21: {  	s3 =	sadd.s32 s3, s9;
	s6 =	sadd.s32 @!p0 $0x88, s6;
	s7 =	simm.s32 @p2 $0x1082  }
0x22: {  	[simem:s7], [sflag:s8] =	dma.local @!p0 [hbm:s6], $0xF7A  }
0x23: {  	s9 =	sor.u32 $0xD0000000, s2;
	s6 =	simm.s32 $0x108;
	_ =	swait.ge @!p0 [sflag:s8], $0x0  }
0x24: {  	s3 =	sadd.s32 $0x88, s3;
	s6 =	simm.s32 @!p1 $0x1082;
	[sflag:s4] =	ssyncset.s32 $0xFFFFF086  }
0x25: {  	[simem:s6], [sflag:s4] =	dma.local [hbm:s3], $0xF7A  }
0x26: {  	[smem:$0x3F93] =	sst s1;
	(tag) =	ssettag s2;
	_ =	strace s9  }
0x27: {  	s1 =	sld [smem:$0x3FA3]  }
0x28: {  	s2 =	sld [smem:$0x3FA4]  }
0x29: {  	s4 =	sld [smem:$0x3FA6]  }
0x2a: {  	p0 =	seq.s32 s5, $0x0;
	s5 =	sld [smem:$0x3FA7]  }
0x2b: {  	s6 =	sld [smem:$0x3FA8]  }
0x2c: {  	s7 =	sld [smem:$0x3FA9]  }
0x2d: {  	s3 =	simm.s32 $0x108;
	s8 =	sld [smem:$0x3FAA]  }
0x2e: {  	s3 =	simm.s32 @!p0 $0x1082;
	s9 =	sld [smem:$0x3FAB]  }
0x2f: {  	lr =	sadd.s32 s0, s3;
	s0 =	sld [smem:$0x3FA2]  }
0x30: {  	s3 =	sld [smem:$0x3FA5]  }
0x31: {  	[smem:$0x3FAE] =	sst s10  }
0x32: {  	s10 =	sld [smem:$0x3FAC];
	_ =	sdelay $0x3  }
0x33: {  	p0 =	seq.s32 s10, $0x1;
	s10 =	sld [smem:$0x3FAE];
	_ =	sdelay $0x3  }
0x34: {  	[smem:$0x3FAE] =	sst s10  }
0x35: {  	s10 =	sld [smem:$0x3FAD];
	_ =	sdelay $0x3  }
0x36: {  	p1 =	seq.s32 s10, $0x1;
	s10 =	sld [smem:$0x3FAE];
	_ =	sdelay $0x3  }
0x37: {  	[smem:$0x3FAE] =	sst s10  }
0x38: {  	s10 =	sld [smem:$0x3FAF]  }
0x39: {  	_ = 	snop;
	(pc) =	sbr.ind lr, $3  }
0x3a: {  	_ = 	snop  }
0x3b: {  	_ = 	snop  }
0x3c: {  	p2 =	seq.s32 s10, $0x1;
	s10 =	sld [smem:$0x3FAE]  }
0x3d: {  	_ =	shalt  }
0x3e: {  	_ =	shalt  }
0x3f: {  	_ =	shalt  }
0x40: {  	_ =	shalt  }
0x41: {  	_ =	shalt  }
0x42: {  	_ =	shalt  }
0x43: {  	_ =	shalt  }
0x44: {  	_ =	shalt  }
0x45: {  	_ =	shalt  }
0x46: {  	_ =	shalt  }
0x47: {  	_ =	shalt  }
0x48: {  	_ =	shalt  }
0x49: {  	_ =	shalt  }
0x4a: {  	_ =	shalt  }
0x4b: {  	_ =	shalt  }
0x4c: {  	_ =	shalt  }
0x4d: {  	_ =	shalt  }
0x4e: {  	_ =	shalt  }
0x4f: {  	_ =	shalt  }
0x50: {  	_ =	shalt  }
0x51: {  	_ =	shalt  }
0x52: {  	_ =	shalt  }
0x53: {  	_ =	shalt  }
0x54: {  	_ =	shalt  }
0x55: {  	_ =	shalt  }
0x56: {  	_ =	shalt  }
0x57: {  	_ =	shalt  }
0x58: {  	_ =	shalt  }
0x59: {  	_ =	shalt  }
0x5a: {  	_ =	shalt  }
0x5b: {  	_ =	shalt  }
0x5c: {  	_ =	shalt  }
0x5d: {  	_ =	shalt  }
0x5e: {  	_ =	shalt  }
0x5f: {  	_ =	shalt  }
0x60: {  	_ =	shalt  }
0x61: {  	_ =	shalt  }
0x62: {  	_ =	shalt  }
0x63: {  	_ =	shalt  }
0x64: {  	_ =	shalt  }
0x65: {  	_ =	shalt  }
0x66: {  	_ =	shalt  }
0x67: {  	_ =	shalt  }
0x68: {  	_ =	shalt  }
0x69: {  	_ =	shalt  }
0x6a: {  	_ =	shalt  }
0x6b: {  	_ =	shalt  }
0x6c: {  	_ =	shalt  }
0x6d: {  	_ =	shalt  }
0x6e: {  	_ =	shalt  }
0x6f: {  	_ =	shalt  }
0x70: {  	_ =	shalt  }
0x71: {  	_ =	shalt  }
0x72: {  	_ =	shalt  }
0x73: {  	_ =	shalt  }
0x74: {  	_ =	shalt  }
0x75: {  	_ =	shalt  }
0x76: {  	_ =	shalt  }
0x77: {  	_ =	shalt  }
0x78: {  	_ =	shalt  }
0x79: {  	_ =	shalt  }
0x7a: {  	_ =	shalt  }
0x7b: {  	_ =	shalt  }
0x7c: {  	_ =	shalt  }
0x7d: {  	_ =	shalt  }
0x7e: {  	_ =	shalt  }
0x7f: {  	_ =	shalt  }
0x80: {  	_ =	shalt  }
0x81: {  	_ =	shalt  }
0x82: {  	_ =	shalt  }
0x83: {  	_ =	shalt  }
0x84: {  	_ =	shalt  }
0x85: {  	_ =	shalt  }
0x86: {  	_ =	shalt  }
0x87: {  	_ =	shalt  }
.Lfunc_end0:
.L_simem_size_0:
called_computation_lowered:
.L_overlay_start_0:
0x88: {  	s2 =	sld [smem:$0x3FD9]  }
0x89: {  	s3 =	sld [smem:$0x3FFE];
	_ =	sdelay $0x1  }
0x8a: {  	s1 =	srdreg.scid  }
0x8b: {  	s0 =	sand.u32 $0x1, s1  }
0x8c: {  	s17 =	sshll.u32 s0, $0xA;
	s2 =	sadd.s32 s3, s2  }
0x8d: {  	s2 =	sadd.s32 s2, s17  }
0x8e: {  	[smem:$0x3FBA] =	sst s2  }
0x8f: {  	_ = 	snop  }
0x90: {  	s2 =	sld [smem:$0x3FD0];
	(tm) =	ssettm $0x1  }
0x91: {  	s18 =	sld [smem:$0x3FFB];
	_ =	sdelay $0x3  }
0x92: {  	_ =	strace s18  }
0x93: {  	s3 =	sld [smem:$0x3FFC];
	_ =	sdelay $0x3  }
0x94: {  	_ =	strace s3  }
0x95: {  	s3 =	sld [smem:$0x3FFD];
	_ =	sdelay $0x3  }
0x96: {  	_ =	strace s3  }
0x97: {  	_ =	strace $0x8FFFFFFF  }
0x98: {  	s19 =	sld [smem:$0x3FDB];
	_ =	sdelay $0x1  }
0x99: {  	s4 =	simm.s32 $_scs_section_size  }
0x9a: {  	s5 =	simm.s32 $_size__tile_overlayer_lowered;
	s6 =	simm.s32 $_tile_overlayer_lowered  }
0x9b: {  	s22 =	simm.s32 $0x1BFF;
	s21 =	sshll.u32 s6, $0x1;
	s3 =	sadd.s32 s4, s19  }
0x9c: {  	s7 =	simm.s32 $0x0;
	s20 =	sshll.u32 s5, $0x1;
	s5 =	sadd.s32 s21, s3  }
0x9d: {  	[timem:s7], [sflag:s22] =	dma.local [hbm:s5], s20  }
0x9e: {  	_ =	swait.ge [sflag:s22], s20  }
0x9f: {  	s4 =	ssub.s32 $0x0, s20;
	[sflag:s22] =	ssyncset.done $0x0  }
0xa0: {  	[sflag:s22] =	ssyncadd.s32 s4;
	_ =	sdelay $0x1  }
0xa1: {  	s23 =	simm.s32 $0x1B8B  }
0xa2: {  	_ =	swait.ge [sflag:s23], $0x1  }
0xa3: {  	[sflag:s23] =	ssyncset.done $0x0  }
0xa4: {  	s25 =	simm.s32 $0x1B8E;
	s24 =	sld [smem:$0x3FFE];
	[sflag:s23] =	ssyncadd.s32 $0xFFFFFFFF  }
0xa5: {  	s26 =	simm.s32 $execute0_lowered;
	[smem:$0x3FD2] =	sst s25  }
0xa6: {  	s5 =	sshll.u32 s26, $0x1;
	_ =	strace $0x80000046;
	[dreg:$0x1] =	wrdreg $0xFFFFFFFF  }
0xa7: {  	s28 =	simm.s32 $_size_execute0_lowered;
	s3 =	sadd.s32 s3, s5;
	[dreg:$0x0] =	wrdreg $0x0  }
0xa8: {  	s5 =	sshll.u32 s28, $0x1;
	[dreg:$0x2] =	wrdreg s3  }
0xa9: {  	[dreg:$0x3] =	wrdreg s5  }
0xaa: {  	[dreg:$0x4] =	wrdreg $0xC0  }
0xab: {  	_ =	task [dreg:s7], $0x5FFFF  }
0xac: {  	[dreg:$0x1] =	wrdreg $0xFFFFFFFF  }
0xad: {  	[dreg:$0x0] =	wrdreg $0x60  }
0xae: {  	[dreg:$0x2] =	wrdreg s24  }
0xaf: {  	[dreg:$0x3] =	wrdreg s2  }
0xb0: {  	[dreg:$0x4] =	wrdreg $0x102000  }
0xb1: {  	[dreg:$0x5] =	wrdreg $0x9  }
0xb2: {  	_ =	task.clear_ibuf [dreg:s7], $0x6FFFF;
	_ =	strace $0x90000046  }
0xb3: {  	s29 =	simm.s32 $0x9;
	_ =	strace $0x80000048  }
0xb4: {  	_ =	swait.ge [sflag:s29], $0x1  }
0xb5: {  	[sflag:s29] =	ssyncadd.s32 $0xFFFFFFFF  }
0xb6: {  	_ =	strace $0x90000048  }
0xb7: {  	_ =	sfence  }
0xb8: {  	s30 =	sld [smem:$0x0];
	_ =	sdelay $0x2  }
0xb9: {  	s31 =	sshll.u32 s1, $0xD;
	s1 =	sshrl.u32 s1, $0x2  }
0xba: {  	s3 =	sand.u32 $0x4000, s31;
	s1 =	sadd.s32 s1, s30  }
0xbb: {  	s0 =	sor.u32 s3, s0;
	s1 =	sshll.u32 s1, $0x11  }
0xbc: {  	s0 =	sor.u32 s1, s0  }
0xbd: {  	s0 =	sadd.s32 $0x8F2B, s0  }
0xbe: {  	[sflag:s0] =	ssyncadd.remote.s32 $0x1  }
0xbf: {  	_ =	sfence.sel $0xFFFF  }
0xc0: {  	[dreg:$0x0] =	wrdreg $0xFFFFFFFF;
	(pc) =	sbr.abs _section_cstart, $3  }
0xc1: {  	[dreg:$0x1] =	wrdreg $0xFFFFFFFF  }
0xc2: {  	_ =	task.clear_ibuf [dreg:s7], $0x2FFFF;
	_ =	strace $0x9FFFFFFF  }
0xc3: {  	(tm) =	ssettm $0x7FFFFFFF  }
tec
execute0_lowered:
.L_overlay_start_1:
0x0: {  	(tag) =	ssettag $0x1  }
0x1: {  	s4 =	rddreg [dreg:$0x0]  }
0x2: {  	s18 =	rddreg [dreg:$0x1]  }
0x3: {  	s1 =	stileid.u32;
	s3 =	srdreg.scid  }
0x4: {  	s2 =	rddreg [dreg:$0x2];
	s5 =	sshll.u32 s1, $0x7;
	s26 =	sand.u32 $0x1, s3  }
0x5: {  	s3 =	simm.s32 $0x0;
	s5 =	sadd.s32 s5, s4;
	s31 =	sshll.u32 s26, $0x6  }
0x6: {  	[smem:$0x7FF] =	sst s3;
	s4 =	sadd.s32 s31, s5  }
0x7: {  	s0 =	rddreg [dreg:$0x3];
	_ =	strace $0x80000047;
	s4 =	sadd.s32 $0x2600, s4  }
0x8: {  	[tilespmem:s3], [sflag:$0x1] =	stream.linear.gather [hbm4b:s4+s3], $0x200, $0x38;
	[tilespmem:$0x10600] =	vst v63  }
0x9: {  	s6 =	simm.s32 $0x200;
	s7 =	simm.s32 $0x2;
	s5 =	sadd.s32 $0x2E00, s5  }
0xa: {  	[tilespmem:s6], [sflag:$0x2] =	stream.linear.gather [hbm4b:s5+s3], $0x400, $0x38;
	[tilespmem:$0x10600] =	vst v63  }
0xb: {  	_ =	swait.ge [sflag:s7], $0x400  }
0xc: {  	s8 =	sshll.u32 s1, $0xA;
	[sflag:s7] =	ssyncset.done $0x0  }
0xd: {  	s9 =	simm.s32 $0x8;
	s8 =	sadd.s32 s8, s2;
	[sflag:s7] =	ssyncadd.s32 $0xFFFFFC00  }
0xe: {  	[spmem:s8] =	stream.linear.scatter [tilespmem:s6], [sflag:$0x8], $0x400, $0x38;
	[tilespmem:$0x10600] =	vst v63  }
0xf: {  	_ =	swait.ge [sflag:s9], $0x400  }
0x10: {  	[sflag:s9] =	ssyncset.done $0x0  }
0x11: {  	s10 =	simm.s32 $0x1;
	[sflag:s9] =	ssyncadd.s32 $0xFFFFFC00  }
0x12: {  	_ =	swait.ge [sflag:s10], $0x200  }
0x13: {  	[sflag:s10] =	ssyncset.done $0x0  }
0x14: {  	[sflag:s10] =	ssyncadd.s32 $0xFFFFFE00  }
0x15: {  	s11 =	simm.s32 $0x80;
	[bflag:$0x0] =	sbarrier.arrive $0xFFFF  }
0x16: {  	[tilespmem:s6], [sflag:$0x3] =	stream.indirect.gather [spmem:s2], $0x80, s3, s11, $0xb8;
	[tilespmem:$0x10600] =	vst v63  }
0x17: {  	s12 =	simm.s32 $0x4200  }
0x18: {  	[tilespmem:s12], [sflag:$0x4] =	stream.indirect.gather [spmem:s2], $0x80, s11, s11, $0xb8;
	[tilespmem:$0x10600] =	vst v63  }
0x19: {  	s13 =	simm.s32 $0x100;
	s14 =	simm.s32 $0x8200  }
0x1a: {  	[tilespmem:s14], [sflag:$0x5] =	stream.indirect.gather [spmem:s2], $0x80, s13, s11, $0xb8;
	[tilespmem:$0x10600] =	vst v63  }
0x1b: {  	s15 =	simm.s32 $0x180;
	s16 =	simm.s32 $0xC200;
	s17 =	simm.s32 $0x3  }
0x1c: {  	[tilespmem:s16], [sflag:$0x6] =	stream.indirect.gather [spmem:s2], $0x80, s15, s11, $0xb8;
	[tilespmem:$0x10600] =	vst v63  }
0x1d: {  	s19 =	sshll.u32 s1, $0xE;
	s20 =	sshll.u32 s26, $0xD;
	_ =	swait.ge [sflag:s17], $0x4000  }
0x1e: {  	s19 =	sor.u32 s20, s19;
	[sflag:s17] =	ssyncset.done $0x0  }
0x1f: {  	s18 =	sadd.s32 s18, s19;
	s19 =	simm.s32 $0x4;
	[sflag:s17] =	ssyncadd.s32 $0xFFFFC000  }
0x20: {  	[hbm4b:s18+s3] =	stream.linear.scatter [tilespmem:s6], [sflag:$0x7], $0x4000, $0x38;
	[tilespmem:$0x10600] =	vst v63  }
0x21: {  	_ =	swait.ge [sflag:s19], $0x4000  }
0x22: {  	[sflag:s19] =	ssyncset.done $0x0  }
0x23: {  	s21 =	simm.s32 $0x5;
	s20 =	sadd.s32 $0x800, s18;
	[sflag:s19] =	ssyncadd.s32 $0xFFFFC000  }
0x24: {  	[hbm4b:s20+s3] =	stream.linear.scatter [tilespmem:s12], [sflag:$0x7], $0x4000, $0x38;
	[tilespmem:$0x10600] =	vst v63  }
0x25: {  	_ =	swait.ge [sflag:s21], $0x4000  }
0x26: {  	[sflag:s21] =	ssyncset.done $0x0  }
0x27: {  	s23 =	simm.s32 $0x6;
	s22 =	sadd.s32 $0x1000, s18;
	[sflag:s21] =	ssyncadd.s32 $0xFFFFC000  }
0x28: {  	[hbm4b:s22+s3] =	stream.linear.scatter [tilespmem:s14], [sflag:$0x7], $0x4000, $0x38;
	[tilespmem:$0x10600] =	vst v63  }
0x29: {  	_ =	swait.ge [sflag:s23], $0x4000  }
0x2a: {  	[sflag:s23] =	ssyncset.done $0x0  }
0x2b: {  	s25 =	simm.s32 $0x7;
	s24 =	sadd.s32 $0x1800, s18;
	[sflag:s23] =	ssyncadd.s32 $0xFFFFC000  }
0x2c: {  	[hbm4b:s24+s3] =	stream.linear.scatter [tilespmem:s16], [sflag:$0x7], $0x4000, $0x38;
	[tilespmem:$0x10600] =	vst v63  }
0x2d: {  	_ =	swait.ge [sflag:s25], $0x4000  }
0x2e: {  	s26 =	ssub.s32 $0x2, s26;
	[sflag:s25] =	ssyncset.done $0x0  }
0x2f: {  	s28 =	sshrl.u32 s26, $0x1;
	[sflag:s25] =	ssyncadd.s32 $0xFFFFC000  }
0x30: {  	s26 =	ssub.s32 s26, s28;
	_ =	swait.ge [sflag:s25], $0x4000  }
0x31: {  	s26 =	smax.u32 s26, $0x1;
	[sflag:s25] =	ssyncset.done $0x0  }
0x32: {  	p0 =	sne.s32 s26, $0x1;
	[sflag:s25] =	ssyncadd.s32 $0xFFFFC000  }
.Ltmp0:
0x33: {  	_ =	swait.ge [sflag:s25], $0x4000;
	(pc) =	sbr.rel @!p0 .LBB2_2-.Ltmp0, $4  }
0x34: {  	[sflag:s25] =	ssyncset.done $0x0  }
0x35: {  	[sflag:s25] =	ssyncadd.s32 $0xFFFFC000  }
0x36: {  	_ =	swait.ge [sflag:s25], $0x4000  }
0x37: {  	s26 =	sadd.s32 $0xFFFFFFFF, s26;
	[sflag:s25] =	ssyncset.done $0x0  }
.LBB2_1:
0x38: {  	p0 =	sne.s32 s26, $0x1;
	s26 =	sadd.s32 $0xFFFFFFFF, s26;
	[sflag:s25] =	ssyncadd.s32 $0xFFFFC000  }
0x39: {  	[tilespmem:s3], [sflag:$0x1] =	stream.linear.gather [hbm4b:s4+s3], $0x200, $0x38;
	[tilespmem:$0x10600] =	vst v63  }
0x3a: {  	_ = 	snop  }
0x3b: {  	[tilespmem:s6], [sflag:$0x2] =	stream.linear.gather [hbm4b:s5+s3], $0x400, $0x38;
	[tilespmem:$0x10600] =	vst v63  }
0x3c: {  	_ =	swait.ge [sflag:s7], $0x400  }
0x3d: {  	[sflag:s7] =	ssyncset.done $0x0  }
0x3e: {  	[sflag:s7] =	ssyncadd.s32 $0xFFFFFC00  }
0x3f: {  	[spmem:s8] =	stream.linear.scatter [tilespmem:s6], [sflag:$0x8], $0x400, $0x38;
	[tilespmem:$0x10600] =	vst v63  }
0x40: {  	_ =	swait.ge [sflag:s9], $0x400  }
0x41: {  	[sflag:s9] =	ssyncset.done $0x0  }
0x42: {  	[sflag:s9] =	ssyncadd.s32 $0xFFFFFC00  }
0x43: {  	_ =	swait.ge [sflag:s10], $0x200  }
0x44: {  	[sflag:s10] =	ssyncset.done $0x0  }
0x45: {  	[sflag:s10] =	ssyncadd.s32 $0xFFFFFE00  }
0x46: {  	[bflag:$0x0] =	sbarrier.arrive $0xFFFF  }
0x47: {  	[tilespmem:s6], [sflag:$0x3] =	stream.indirect.gather [spmem:s2], $0x80, s3, s11, $0xb8;
	[tilespmem:$0x10600] =	vst v63  }
0x48: {  	_ = 	snop  }
0x49: {  	[tilespmem:s12], [sflag:$0x4] =	stream.indirect.gather [spmem:s2], $0x80, s11, s11, $0xb8;
	[tilespmem:$0x10600] =	vst v63  }
0x4a: {  	_ = 	snop  }
0x4b: {  	[tilespmem:s14], [sflag:$0x5] =	stream.indirect.gather [spmem:s2], $0x80, s13, s11, $0xb8;
	[tilespmem:$0x10600] =	vst v63  }
0x4c: {  	_ = 	snop  }
0x4d: {  	[tilespmem:s16], [sflag:$0x6] =	stream.indirect.gather [spmem:s2], $0x80, s15, s11, $0xb8;
	[tilespmem:$0x10600] =	vst v63  }
0x4e: {  	_ =	swait.ge [sflag:s17], $0x4000  }
0x4f: {  	[sflag:s17] =	ssyncset.done $0x0  }
0x50: {  	[sflag:s17] =	ssyncadd.s32 $0xFFFFC000  }
0x51: {  	[hbm4b:s18+s3] =	stream.linear.scatter [tilespmem:s6], [sflag:$0x7], $0x4000, $0x38;
	[tilespmem:$0x10600] =	vst v63  }
0x52: {  	_ =	swait.ge [sflag:s19], $0x4000  }
0x53: {  	[sflag:s19] =	ssyncset.done $0x0  }
0x54: {  	[sflag:s19] =	ssyncadd.s32 $0xFFFFC000  }
0x55: {  	[hbm4b:s20+s3] =	stream.linear.scatter [tilespmem:s12], [sflag:$0x7], $0x4000, $0x38;
	[tilespmem:$0x10600] =	vst v63  }
0x56: {  	_ =	swait.ge [sflag:s21], $0x4000  }
0x57: {  	[sflag:s21] =	ssyncset.done $0x0  }
0x58: {  	[sflag:s21] =	ssyncadd.s32 $0xFFFFC000  }
0x59: {  	[hbm4b:s22+s3] =	stream.linear.scatter [tilespmem:s14], [sflag:$0x7], $0x4000, $0x38;
	[tilespmem:$0x10600] =	vst v63  }
0x5a: {  	_ =	swait.ge [sflag:s23], $0x4000  }
0x5b: {  	[sflag:s23] =	ssyncset.done $0x0  }
0x5c: {  	[sflag:s23] =	ssyncadd.s32 $0xFFFFC000  }
0x5d: {  	[hbm4b:s24+s3] =	stream.linear.scatter [tilespmem:s16], [sflag:$0x7], $0x4000, $0x38;
	[tilespmem:$0x10600] =	vst v63  }
0x5e: {  	_ =	swait.ge [sflag:s25], $0x4000  }
0x5f: {  	[sflag:s25] =	ssyncset.done $0x0  }
0x60: {  	[sflag:s25] =	ssyncadd.s32 $0xFFFFC000  }
0x61: {  	_ =	swait.ge [sflag:s25], $0x4000  }
0x62: {  	[sflag:s25] =	ssyncset.done $0x0  }
0x63: {  	[sflag:s25] =	ssyncadd.s32 $0xFFFFC000  }
.Ltmp1:
0x64: {  	_ =	swait.ge [sflag:s25], $0x4000;
	(pc) =	sbr.rel @p0 .LBB2_1-.Ltmp1, $4  }
0x65: {  	[sflag:s25] =	ssyncset.done $0x0  }
0x66: {  	[sflag:s25] =	ssyncadd.s32 $0xFFFFC000  }
0x67: {  	_ =	swait.ge [sflag:s25], $0x4000  }
0x68: {  	[sflag:s25] =	ssyncset.done $0x0  }
.LBB2_2:
0x69: {  	[sflag:s25] =	ssyncadd.s32 $0xFFFFC000  }
0x6a: {  	_ =	sfence.sel $0x180000  }
0x6b: {  	[bflag:$0x0] =	sbarrier.arrive $0xFFFF  }
0x6c: {  	p0 =	sne.s32 s1, $0x0;
	_ =	strace $0x90000047  }
0x6d: {  	s0 =	sadd.s32 @!p0 $0x100000, s0;
	[bflag:$0x2] =	sbarrier.arrive $0xFFFF  }
0x6e: {  	[sflag:s0] =	ssyncadd.tile.s32 @!p0 $0x1;
	_ =	shalt  }
.Lfunc_end2:
_tile_overlayer_lowered:
.L_overlay_start_2:
0x6f: {  	(tag) =	ssettag $0x2  }
0x70: {  	s0 =	rddreg [dreg:$0x0];
	s2 =	stileid.u32  }
0x71: {  	s1 =	rddreg [dreg:$0x1];
	p0 =	sne.s32 s2, $0x0  }
0x72: {  	s3 =	rddreg [dreg:$0x2];
	[bflag:$0x3] =	sbarrier.arrive $0xFFFF;
	s2 =	simm.s32 @!p0 $0x1C08  }
0x73: {  	[timem:s3], [sflag:s2] =	dma.local @!p0 [hbm:s0], s1  }
0x74: {  	s0 =	simm.s32 @!p0 $0x8  }
0x75: {  	_ =	swait.ge @!p0 [sflag:s0], s1  }
0x76: {  	s1 =	ssub.s32 @!p0 $0x0, s1;
	[sflag:s0] =	ssyncset.done @!p0 $0x0  }
0x77: {  	[sflag:s0] =	ssyncadd.s32 @!p0 s1  }
0x78: {  	[bflag:$0x3] =	sbarrier.arrive $0xFFFF  }
0x79: {  	_ =	shalt  }

</sc_bundles>
